<compile_context>
chip_gen: v7x
topology: tpu7x:2x2x1
jax: 0.10.2.dev20260603
libtpu: 0.0.44.dev20260713+nightly
codegen_flags: <defaults>
</compile_context>

<pallas_src>
import jax
import jax.numpy as jnp
from jax import lax
from jax.experimental import pallas as pl
from jax.experimental.pallas import tpu as pltpu
from jax.experimental.pallas import tpu_sc as plsc

NC = 2
NS = 16
NW = NC * NS

KB = 8
NB = 4

RB = 14336


def _relayout_block(wt_ref, out_ref):
    dim = wt_ref.shape[0]
    out_ref[:, 0:dim] = wt_ref[...].T


def _relayout(wt_t):
    dim, n_rows = wt_t.shape
    return pl.pallas_call(
        _relayout_block,
        grid=((n_rows + RB - 1) // RB,),
        in_specs=[pl.BlockSpec((dim, RB), lambda j: (0, j))],
        out_specs=pl.BlockSpec((RB, 128), lambda j: (j, 0)),
        out_shape=jax.ShapeDtypeStruct((n_rows, 128), jnp.float32),
    )(wt_t)


def _make_gather(batch, fields, dim):
    rows_w = batch // NW
    n_chunks = rows_w // KB
    n_groups = n_chunks // NB
    mesh = plsc.VectorSubcoreMesh(
        core_axis_name="c", subcore_axis_name="s",
        num_cores=NC, num_subcores=NS)

    @pl.kernel(
        out_type=jax.ShapeDtypeStruct((batch, fields, dim), jnp.float32),
        mesh=mesh,
        scratch_types=[
            pltpu.VMEM((rows_w, fields), jnp.int32),
            [pltpu.VMEM((KB, fields, 128), jnp.float32) for _ in range(NB)],
            [pltpu.SemaphoreType.DMA for _ in range(NB)],
            [pltpu.SemaphoreType.DMA for _ in range(NB)],
        ],
        compiler_params=pltpu.CompilerParams(use_tc_tiling_on_sc=False),
    )
    def k(idx_hbm, table_hbm, out_hbm, idx_v, rows, gsems, ssems):
        wid = lax.axis_index("s") * NC + lax.axis_index("c")
        base_b = wid * rows_w
        pltpu.sync_copy(idx_hbm.at[pl.ds(base_b, rows_w)], idx_v)

        def group(g, carry):
            for b in range(NB):
                j = g * NB + b
                for r in range(KB):
                    pltpu.make_async_copy(
                        table_hbm.at[idx_v.at[j * KB + r]],
                        rows[b].at[r], gsems[b]).start()
            for b in range(NB):
                j = g * NB + b
                for r in range(KB):
                    pltpu.make_async_copy(
                        table_hbm.at[idx_v.at[j * KB + r]],
                        rows[b].at[r], gsems[b]).wait()
                pltpu.make_async_copy(
                    rows[b].at[:, :, pl.ds(0, dim)],
                    out_hbm.at[pl.ds(base_b + j * KB, KB)],
                    ssems[b]).start()
            for b in range(NB):
                j = g * NB + b
                pltpu.make_async_copy(
                    rows[b].at[:, :, pl.ds(0, dim)],
                    out_hbm.at[pl.ds(base_b + j * KB, KB)],
                    ssems[b]).wait()
            return carry

        lax.fori_loop(0, n_groups, group, 0)

    return k


def kernel(indices, weight):
    batch, fields = indices.shape
    dim = weight.shape[1]
    assert batch % (NW * KB * NB) == 0
    table = _relayout(weight.T)
    return _make_gather(batch, fields, dim)(indices, table)

# --- scband reference (transcript-rebuilt; emitter-appended) ---
"""Pipeline reference for scband-embedding-20993800143126 (READ-ONLY COPY).

The authoritative reference and input builder live on the scoring server;
editing this copy changes nothing except your own understanding.
"""

import jax, jax.numpy as jnp
import numpy as np

NUM_EMBEDDINGS = 1000000
EMBEDDING_DIM = 64
BATCH = 16384
FIELDS = 26


def setup_inputs(seed: int = 0) -> dict:
    key = jax.random.key(seed)
    k_idx, k_w = jax.random.split(key)
    indices = jax.random.randint(k_idx, (BATCH, FIELDS), 0, NUM_EMBEDDINGS, dtype=jnp.int64 if jax.config.jax_enable_x64 else jnp.int32)
    # init_weights: normal(mean=0.0, std=1.0)
    weight = jax.random.normal(k_w, (NUM_EMBEDDINGS, EMBEDDING_DIM), dtype=jnp.float32) * 1.0 + 0.0
    return {"indices": indices, "weight": weight}


def reference(indices, weight):
    # nn.Embedding forward: gather rows of the table by index
    return jnp.take(weight, indices, axis=0)

if __name__ == "__main__":
    import jax
    _d = setup_inputs()
    print(jax.jit(kernel)(*tuple(_d.values())))

</pallas_src>

<mosaic_0001>
#map = affine_map<(d0, d1) -> (0, 0)>
#map1 = affine_map<(d0, d1) -> (0, 0, 0)>
module attributes {stable_mosaic.version = 14 : i64} {
  func.func @k(%arg0: i32, %arg1: i32, %arg2: memref<16384x26xi32, #tpu.memory_space<hbm>>, %arg3: memref<1000000x128xf32, #tpu.memory_space<hbm>>, %arg4: memref<16384x26x64xf32, #tpu.memory_space<hbm>>, %arg5: memref<512x26xi32, #tpu.memory_space<vmem>>, %arg6: memref<8x26x128xf32, #tpu.memory_space<vmem>>, %arg7: memref<8x26x128xf32, #tpu.memory_space<vmem>>, %arg8: memref<8x26x128xf32, #tpu.memory_space<vmem>>, %arg9: memref<8x26x128xf32, #tpu.memory_space<vmem>>, %arg10: memref<!tpu.dma_semaphore, #tpu.memory_space<semaphore_mem>>, %arg11: memref<!tpu.dma_semaphore, #tpu.memory_space<semaphore_mem>>, %arg12: memref<!tpu.dma_semaphore, #tpu.memory_space<semaphore_mem>>, %arg13: memref<!tpu.dma_semaphore, #tpu.memory_space<semaphore_mem>>, %arg14: memref<!tpu.dma_semaphore, #tpu.memory_space<semaphore_mem>>, %arg15: memref<!tpu.dma_semaphore, #tpu.memory_space<semaphore_mem>>, %arg16: memref<!tpu.dma_semaphore, #tpu.memory_space<semaphore_mem>>, %arg17: memref<!tpu.dma_semaphore, #tpu.memory_space<semaphore_mem>>) attributes {dimension_semantics = [#tpu.dimension_semantics<core_parallel>, #tpu.dimension_semantics<subcore_parallel>], iteration_bounds = array<i64: 2, 16>, scalar_prefetch = 0 : i64, scratch_operands = 13 : i64, tpu.core_type = #tpu.core_type<sc_vector_subcore>, window_params = [{transform_indices = #map}, {transform_indices = #map}, {transform_indices = #map1}]} {
    %mul3A = arith.constant 2 : i32
    %mul3A_0 = arith.muli %arg1, %mul3A : i32
    %add3A = arith.addi %mul3A_0, %arg0 : i32
    %mul3A_1 = arith.constant 512 : i32
    %mul3A_2 = arith.muli %add3A, %mul3A_1 : i32
    "tpu.region"() ({
      %run_scoped3A = tpu.sem_alloc : memref<!tpu.dma_semaphore, #tpu.memory_space<semaphore_mem>>
      %dma_start3A = arith.constant 0 : i32
      %dma_start3A_8 = tpu.memref_slice %arg2[%mul3A_2, %dma_start3A] : memref<16384x26xi32, #tpu.memory_space<hbm>> -> memref<512x26xi32, #tpu.memory_space<hbm>>
      %dma_start3A_9 = arith.constant 0 : i32
      %dma_start3A_10 = tpu.memref_slice %arg2[%mul3A_2, %dma_start3A_9] : memref<16384x26xi32, #tpu.memory_space<hbm>> -> memref<512x26xi32, #tpu.memory_space<hbm>>
      tpu.enqueue_dma source(%dma_start3A_10 : memref<512x26xi32, #tpu.memory_space<hbm>>) target(%arg5 : memref<512x26xi32, #tpu.memory_space<vmem>>) target_semaphore(%run_scoped3A : memref<!tpu.dma_semaphore, #tpu.memory_space<semaphore_mem>>)
      %dma_wait3A = arith.constant 0 : i32
      %dma_wait3A_11 = tpu.memref_slice %arg2[%mul3A_2, %dma_wait3A] : memref<16384x26xi32, #tpu.memory_space<hbm>> -> memref<512x26xi32, #tpu.memory_space<hbm>>
      %dma_wait3A_12 = arith.constant 0 : i32
      %dma_wait3A_13 = tpu.memref_slice %arg2[%mul3A_2, %dma_wait3A_12] : memref<16384x26xi32, #tpu.memory_space<hbm>> -> memref<512x26xi32, #tpu.memory_space<hbm>>
      tpu.wait_dma2 semaphore(%run_scoped3A : memref<!tpu.dma_semaphore, #tpu.memory_space<semaphore_mem>>) src(%dma_wait3A_13 : memref<512x26xi32, #tpu.memory_space<hbm>>) dst(%arg5 : memref<512x26xi32, #tpu.memory_space<vmem>>)
      tpu.yield
    }) : () -> ()
    %scan3A = arith.constant 0 : i32
    %scan3A_3 = arith.constant 0 : i32
    %scan3A_4 = arith.constant 16 : i32
    %scan3A_5 = arith.addi %scan3A_3, %scan3A_4 : i32
    %scan3A_6 = arith.constant 1 : i32
    scf.for %scan3A_8 = %scan3A_3 to %scan3A_5 step %scan3A_6  : i32 {
      %mul3A_9 = arith.constant 4 : i32
      %mul3A_10 = arith.muli %scan3A_8, %mul3A_9 : i32
      %add3A_11 = arith.constant 0 : i32
      %add3A_12 = arith.addi %mul3A_10, %add3A_11 : i32
      %mul3A_13 = arith.constant 8 : i32
      %mul3A_14 = arith.muli %add3A_12, %mul3A_13 : i32
      %add3A_15 = arith.constant 0 : i32
      %add3A_16 = arith.addi %mul3A_14, %add3A_15 : i32
      %dma_start3A = arith.constant 0 : i32
      %dma_start3A_17 = arith.constant 0 : i32
      %dma_start3A_18 = arith.constant 0 : i32
      %dma_start3A_19 = tpu.memref_slice %arg6[%dma_start3A, %dma_start3A_17, %dma_start3A_18] : memref<8x26x128xf32, #tpu.memory_space<vmem>> -> memref<1x26x128xf32, #tpu.memory_space<vmem>>
      %dma_start3A_20 = tpu.memref_squeeze %dma_start3A_19 : memref<1x26x128xf32, #tpu.memory_space<vmem>> -> memref<26x128xf32, #tpu.memory_space<vmem>>
      %dma_start3A_21 = arith.constant 0 : i32
      %dma_start3A_22 = tpu.memref_slice %arg5[%add3A_16, %dma_start3A_21] : memref<512x26xi32, #tpu.memory_space<vmem>> -> memref<1x26xi32, #tpu.memory_space<vmem>>
      %dma_start3A_23 = tpu.memref_squeeze %dma_start3A_22 : memref<1x26xi32, #tpu.memory_space<vmem>> -> memref<26xi32, #tpu.memory_space<vmem>>
      %dma_start3A_24 = arith.constant 0 : i32
      %dma_start3A_25 = arith.constant 0 : i32
      %dma_start3A_26 = tpu.memref_slice %arg3[%dma_start3A_24, %dma_start3A_25] : memref<1000000x128xf32, #tpu.memory_space<hbm>> -> memref<1000000x128xf32, #tpu.memory_space<hbm>>
      tpu.enqueue_indirect_dma source(%dma_start3A_26 : memref<1000000x128xf32, #tpu.memory_space<hbm>>) target(%dma_start3A_20 : memref<26x128xf32, #tpu.memory_space<vmem>>) offsets(%dma_start3A_23 : memref<26xi32, #tpu.memory_space<vmem>>) semaphore(%arg10 : memref<!tpu.dma_semaphore, #tpu.memory_space<semaphore_mem>>)
      %mul3A_27 = arith.constant 8 : i32
      %mul3A_28 = arith.muli %add3A_12, %mul3A_27 : i32
      %add3A_29 = arith.constant 1 : i32
      %add3A_30 = arith.addi %mul3A_28, %add3A_29 : i32
      %dma_start3A_31 = arith.constant 1 : i32
      %dma_start3A_32 = arith.constant 0 : i32
      %dma_start3A_33 = arith.constant 0 : i32
      %dma_start3A_34 = tpu.memref_slice %arg6[%dma_start3A_31, %dma_start3A_32, %dma_start3A_33] : memref<8x26x128xf32, #tpu.memory_space<vmem>> -> memref<1x26x128xf32, #tpu.memory_space<vmem>>
      %dma_start3A_35 = tpu.memref_squeeze %dma_start3A_34 : memref<1x26x128xf32, #tpu.memory_space<vmem>> -> memref<26x128xf32, #tpu.memory_space<vmem>>
      %dma_start3A_36 = arith.constant 0 : i32
      %dma_start3A_37 = tpu.memref_slice %arg5[%add3A_30, %dma_start3A_36] : memref<512x26xi32, #tpu.memory_space<vmem>> -> memref<1x26xi32, #tpu.memory_space<vmem>>
      %dma_start3A_38 = tpu.memref_squeeze %dma_start3A_37 : memref<1x26xi32, #tpu.memory_space<vmem>> -> memref<26xi32, #tpu.memory_space<vmem>>
      %dma_start3A_39 = arith.constant 0 : i32
      %dma_start3A_40 = arith.constant 0 : i32
      %dma_start3A_41 = tpu.memref_slice %arg3[%dma_start3A_39, %dma_start3A_40] : memref<1000000x128xf32, #tpu.memory_space<hbm>> -> memref<1000000x128xf32, #tpu.memory_space<hbm>>
      tpu.enqueue_indirect_dma source(%dma_start3A_41 : memref<1000000x128xf32, #tpu.memory_space<hbm>>) target(%dma_start3A_35 : memref<26x128xf32, #tpu.memory_space<vmem>>) offsets(%dma_start3A_38 : memref<26xi32, #tpu.memory_space<vmem>>) semaphore(%arg10 : memref<!tpu.dma_semaphore, #tpu.memory_space<semaphore_mem>>)
      %mul3A_42 = arith.constant 8 : i32
      %mul3A_43 = arith.muli %add3A_12, %mul3A_42 : i32
      %add3A_44 = arith.constant 2 : i32
      %add3A_45 = arith.addi %mul3A_43, %add3A_44 : i32
      %dma_start3A_46 = arith.constant 2 : i32
      %dma_start3A_47 = arith.constant 0 : i32
      %dma_start3A_48 = arith.constant 0 : i32
      %dma_start3A_49 = tpu.memref_slice %arg6[%dma_start3A_46, %dma_start3A_47, %dma_start3A_48] : memref<8x26x128xf32, #tpu.memory_space<vmem>> -> memref<1x26x128xf32, #tpu.memory_space<vmem>>
      %dma_start3A_50 = tpu.memref_squeeze %dma_start3A_49 : memref<1x26x128xf32, #tpu.memory_space<vmem>> -> memref<26x128xf32, #tpu.memory_space<vmem>>
      %dma_start3A_51 = arith.constant 0 : i32
      %dma_start3A_52 = tpu.memref_slice %arg5[%add3A_45, %dma_start3A_51] : memref<512x26xi32, #tpu.memory_space<vmem>> -> memref<1x26xi32, #tpu.memory_space<vmem>>
      %dma_start3A_53 = tpu.memref_squeeze %dma_start3A_52 : memref<1x26xi32, #tpu.memory_space<vmem>> -> memref<26xi32, #tpu.memory_space<vmem>>
      %dma_start3A_54 = arith.constant 0 : i32
      %dma_start3A_55 = arith.constant 0 : i32
      %dma_start3A_56 = tpu.memref_slice %arg3[%dma_start3A_54, %dma_start3A_55] : memref<1000000x128xf32, #tpu.memory_space<hbm>> -> memref<1000000x128xf32, #tpu.memory_space<hbm>>
      tpu.enqueue_indirect_dma source(%dma_start3A_56 : memref<1000000x128xf32, #tpu.memory_space<hbm>>) target(%dma_start3A_50 : memref<26x128xf32, #tpu.memory_space<vmem>>) offsets(%dma_start3A_53 : memref<26xi32, #tpu.memory_space<vmem>>) semaphore(%arg10 : memref<!tpu.dma_semaphore, #tpu.memory_space<semaphore_mem>>)
      %mul3A_57 = arith.constant 8 : i32
      %mul3A_58 = arith.muli %add3A_12, %mul3A_57 : i32
      %add3A_59 = arith.constant 3 : i32
      %add3A_60 = arith.addi %mul3A_58, %add3A_59 : i32
      %dma_start3A_61 = arith.constant 3 : i32
      %dma_start3A_62 = arith.constant 0 : i32
      %dma_start3A_63 = arith.constant 0 : i32
      %dma_start3A_64 = tpu.memref_slice %arg6[%dma_start3A_61, %dma_start3A_62, %dma_start3A_63] : memref<8x26x128xf32, #tpu.memory_space<vmem>> -> memref<1x26x128xf32, #tpu.memory_space<vmem>>
      %dma_start3A_65 = tpu.memref_squeeze %dma_start3A_64 : memref<1x26x128xf32, #tpu.memory_space<vmem>> -> memref<26x128xf32, #tpu.memory_space<vmem>>
      %dma_start3A_66 = arith.constant 0 : i32
      %dma_start3A_67 = tpu.memref_slice %arg5[%add3A_60, %dma_start3A_66] : memref<512x26xi32, #tpu.memory_space<vmem>> -> memref<1x26xi32, #tpu.memory_space<vmem>>
      %dma_start3A_68 = tpu.memref_squeeze %dma_start3A_67 : memref<1x26xi32, #tpu.memory_space<vmem>> -> memref<26xi32, #tpu.memory_space<vmem>>
      %dma_start3A_69 = arith.constant 0 : i32
      %dma_start3A_70 = arith.constant 0 : i32
      %dma_start3A_71 = tpu.memref_slice %arg3[%dma_start3A_69, %dma_start3A_70] : memref<1000000x128xf32, #tpu.memory_space<hbm>> -> memref<1000000x128xf32, #tpu.memory_space<hbm>>
      tpu.enqueue_indirect_dma source(%dma_start3A_71 : memref<1000000x128xf32, #tpu.memory_space<hbm>>) target(%dma_start3A_65 : memref<26x128xf32, #tpu.memory_space<vmem>>) offsets(%dma_start3A_68 : memref<26xi32, #tpu.memory_space<vmem>>) semaphore(%arg10 : memref<!tpu.dma_semaphore, #tpu.memory_space<semaphore_mem>>)
      %mul3A_72 = arith.constant 8 : i32
      %mul3A_73 = arith.muli %add3A_12, %mul3A_72 : i32
      %add3A_74 = arith.constant 4 : i32
      %add3A_75 = arith.addi %mul3A_73, %add3A_74 : i32
      %dma_start3A_76 = arith.constant 4 : i32
      %dma_start3A_77 = arith.constant 0 : i32
      %dma_start3A_78 = arith.constant 0 : i32
      %dma_start3A_79 = tpu.memref_slice %arg6[%dma_start3A_76, %dma_start3A_77, %dma_start3A_78] : memref<8x26x128xf32, #tpu.memory_space<vmem>> -> memref<1x26x128xf32, #tpu.memory_space<vmem>>
      %dma_start3A_80 = tpu.memref_squeeze %dma_start3A_79 : memref<1x26x128xf32, #tpu.memory_space<vmem>> -> memref<26x128xf32, #tpu.memory_space<vmem>>
      %dma_start3A_81 = arith.constant 0 : i32
      %dma_start3A_82 = tpu.memref_slice %arg5[%add3A_75, %dma_start3A_81] : memref<512x26xi32, #tpu.memory_space<vmem>> -> memref<1x26xi32, #tpu.memory_space<vmem>>
      %dma_start3A_83 = tpu.memref_squeeze %dma_start3A_82 : memref<1x26xi32, #tpu.memory_space<vmem>> -> memref<26xi32, #tpu.memory_space<vmem>>
      %dma_start3A_84 = arith.constant 0 : i32
      %dma_start3A_85 = arith.constant 0 : i32
      %dma_start3A_86 = tpu.memref_slice %arg3[%dma_start3A_84, %dma_start3A_85] : memref<1000000x128xf32, #tpu.memory_space<hbm>> -> memref<1000000x128xf32, #tpu.memory_space<hbm>>
      tpu.enqueue_indirect_dma source(%dma_start3A_86 : memref<1000000x128xf32, #tpu.memory_space<hbm>>) target(%dma_start3A_80 : memref<26x128xf32, #tpu.memory_space<vmem>>) offsets(%dma_start3A_83 : memref<26xi32, #tpu.memory_space<vmem>>) semaphore(%arg10 : memref<!tpu.dma_semaphore, #tpu.memory_space<semaphore_mem>>)
      %mul3A_87 = arith.constant 8 : i32
      %mul3A_88 = arith.muli %add3A_12, %mul3A_87 : i32
      %add3A_89 = arith.constant 5 : i32
      %add3A_90 = arith.addi %mul3A_88, %add3A_89 : i32
      %dma_start3A_91 = arith.constant 5 : i32
      %dma_start3A_92 = arith.constant 0 : i32
      %dma_start3A_93 = arith.constant 0 : i32
      %dma_start3A_94 = tpu.memref_slice %arg6[%dma_start3A_91, %dma_start3A_92, %dma_start3A_93] : memref<8x26x128xf32, #tpu.memory_space<vmem>> -> memref<1x26x128xf32, #tpu.memory_space<vmem>>
      %dma_start3A_95 = tpu.memref_squeeze %dma_start3A_94 : memref<1x26x128xf32, #tpu.memory_space<vmem>> -> memref<26x128xf32, #tpu.memory_space<vmem>>
      %dma_start3A_96 = arith.constant 0 : i32
      %dma_start3A_97 = tpu.memref_slice %arg5[%add3A_90, %dma_start3A_96] : memref<512x26xi32, #tpu.memory_space<vmem>> -> memref<1x26xi32, #tpu.memory_space<vmem>>
      %dma_start3A_98 = tpu.memref_squeeze %dma_start3A_97 : memref<1x26xi32, #tpu.memory_space<vmem>> -> memref<26xi32, #tpu.memory_space<vmem>>
      %dma_start3A_99 = arith.constant 0 : i32
      %dma_start3A_100 = arith.constant 0 : i32
      %dma_start3A_101 = tpu.memref_slice %arg3[%dma_start3A_99, %dma_start3A_100] : memref<1000000x128xf32, #tpu.memory_space<hbm>> -> memref<1000000x128xf32, #tpu.memory_space<hbm>>
      tpu.enqueue_indirect_dma source(%dma_start3A_101 : memref<1000000x128xf32, #tpu.memory_space<hbm>>) target(%dma_start3A_95 : memref<26x128xf32, #tpu.memory_space<vmem>>) offsets(%dma_start3A_98 : memref<26xi32, #tpu.memory_space<vmem>>) semaphore(%arg10 : memref<!tpu.dma_semaphore, #tpu.memory_space<semaphore_mem>>)
      %mul3A_102 = arith.constant 8 : i32
      %mul3A_103 = arith.muli %add3A_12, %mul3A_102 : i32
      %add3A_104 = arith.constant 6 : i32
      %add3A_105 = arith.addi %mul3A_103, %add3A_104 : i32
      %dma_start3A_106 = arith.constant 6 : i32
      %dma_start3A_107 = arith.constant 0 : i32
      %dma_start3A_108 = arith.constant 0 : i32
      %dma_start3A_109 = tpu.memref_slice %arg6[%dma_start3A_106, %dma_start3A_107, %dma_start3A_108] : memref<8x26x128xf32, #tpu.memory_space<vmem>> -> memref<1x26x128xf32, #tpu.memory_space<vmem>>
      %dma_start3A_110 = tpu.memref_squeeze %dma_start3A_109 : memref<1x26x128xf32, #tpu.memory_space<vmem>> -> memref<26x128xf32, #tpu.memory_space<vmem>>
      %dma_start3A_111 = arith.constant 0 : i32
      %dma_start3A_112 = tpu.memref_slice %arg5[%add3A_105, %dma_start3A_111] : memref<512x26xi32, #tpu.memory_space<vmem>> -> memref<1x26xi32, #tpu.memory_space<vmem>>
      %dma_start3A_113 = tpu.memref_squeeze %dma_start3A_112 : memref<1x26xi32, #tpu.memory_space<vmem>> -> memref<26xi32, #tpu.memory_space<vmem>>
      %dma_start3A_114 = arith.constant 0 : i32
      %dma_start3A_115 = arith.constant 0 : i32
      %dma_start3A_116 = tpu.memref_slice %arg3[%dma_start3A_114, %dma_start3A_115] : memref<1000000x128xf32, #tpu.memory_space<hbm>> -> memref<1000000x128xf32, #tpu.memory_space<hbm>>
      tpu.enqueue_indirect_dma source(%dma_start3A_116 : memref<1000000x128xf32, #tpu.memory_space<hbm>>) target(%dma_start3A_110 : memref<26x128xf32, #tpu.memory_space<vmem>>) offsets(%dma_start3A_113 : memref<26xi32, #tpu.memory_space<vmem>>) semaphore(%arg10 : memref<!tpu.dma_semaphore, #tpu.memory_space<semaphore_mem>>)
      %mul3A_117 = arith.constant 8 : i32
      %mul3A_118 = arith.muli %add3A_12, %mul3A_117 : i32
      %add3A_119 = arith.constant 7 : i32
      %add3A_120 = arith.addi %mul3A_118, %add3A_119 : i32
      %dma_start3A_121 = arith.constant 7 : i32
      %dma_start3A_122 = arith.constant 0 : i32
      %dma_start3A_123 = arith.constant 0 : i32
      %dma_start3A_124 = tpu.memref_slice %arg6[%dma_start3A_121, %dma_start3A_122, %dma_start3A_123] : memref<8x26x128xf32, #tpu.memory_space<vmem>> -> memref<1x26x128xf32, #tpu.memory_space<vmem>>
      %dma_start3A_125 = tpu.memref_squeeze %dma_start3A_124 : memref<1x26x128xf32, #tpu.memory_space<vmem>> -> memref<26x128xf32, #tpu.memory_space<vmem>>
      %dma_start3A_126 = arith.constant 0 : i32
      %dma_start3A_127 = tpu.memref_slice %arg5[%add3A_120, %dma_start3A_126] : memref<512x26xi32, #tpu.memory_space<vmem>> -> memref<1x26xi32, #tpu.memory_space<vmem>>
      %dma_start3A_128 = tpu.memref_squeeze %dma_start3A_127 : memref<1x26xi32, #tpu.memory_space<vmem>> -> memref<26xi32, #tpu.memory_space<vmem>>
      %dma_start3A_129 = arith.constant 0 : i32
      %dma_start3A_130 = arith.constant 0 : i32
      %dma_start3A_131 = tpu.memref_slice %arg3[%dma_start3A_129, %dma_start3A_130] : memref<1000000x128xf32, #tpu.memory_space<hbm>> -> memref<1000000x128xf32, #tpu.memory_space<hbm>>
      tpu.enqueue_indirect_dma source(%dma_start3A_131 : memref<1000000x128xf32, #tpu.memory_space<hbm>>) target(%dma_start3A_125 : memref<26x128xf32, #tpu.memory_space<vmem>>) offsets(%dma_start3A_128 : memref<26xi32, #tpu.memory_space<vmem>>) semaphore(%arg10 : memref<!tpu.dma_semaphore, #tpu.memory_space<semaphore_mem>>)
      %mul3A_132 = arith.constant 4 : i32
      %mul3A_133 = arith.muli %scan3A_8, %mul3A_132 : i32
      %add3A_134 = arith.constant 1 : i32
      %add3A_135 = arith.addi %mul3A_133, %add3A_134 : i32
      %mul3A_136 = arith.constant 8 : i32
      %mul3A_137 = arith.muli %add3A_135, %mul3A_136 : i32
      %add3A_138 = arith.constant 0 : i32
      %add3A_139 = arith.addi %mul3A_137, %add3A_138 : i32
      %dma_start3A_140 = arith.constant 0 : i32
      %dma_start3A_141 = arith.constant 0 : i32
      %dma_start3A_142 = arith.constant 0 : i32
      %dma_start3A_143 = tpu.memref_slice %arg7[%dma_start3A_140, %dma_start3A_141, %dma_start3A_142] : memref<8x26x128xf32, #tpu.memory_space<vmem>> -> memref<1x26x128xf32, #tpu.memory_space<vmem>>
      %dma_start3A_144 = tpu.memref_squeeze %dma_start3A_143 : memref<1x26x128xf32, #tpu.memory_space<vmem>> -> memref<26x128xf32, #tpu.memory_space<vmem>>
      %dma_start3A_145 = arith.constant 0 : i32
      %dma_start3A_146 = tpu.memref_slice %arg5[%add3A_139, %dma_start3A_145] : memref<512x26xi32, #tpu.memory_space<vmem>> -> memref<1x26xi32, #tpu.memory_space<vmem>>
      %dma_start3A_147 = tpu.memref_squeeze %dma_start3A_146 : memref<1x26xi32, #tpu.memory_space<vmem>> -> memref<26xi32, #tpu.memory_space<vmem>>
      %dma_start3A_148 = arith.constant 0 : i32
      %dma_start3A_149 = arith.constant 0 : i32
      %dma_start3A_150 = tpu.memref_slice %arg3[%dma_start3A_148, %dma_start3A_149] : memref<1000000x128xf32, #tpu.memory_space<hbm>> -> memref<1000000x128xf32, #tpu.memory_space<hbm>>
      tpu.enqueue_indirect_dma source(%dma_start3A_150 : memref<1000000x128xf32, #tpu.memory_space<hbm>>) target(%dma_start3A_144 : memref<26x128xf32, #tpu.memory_space<vmem>>) offsets(%dma_start3A_147 : memref<26xi32, #tpu.memory_space<vmem>>) semaphore(%arg11 : memref<!tpu.dma_semaphore, #tpu.memory_space<semaphore_mem>>)
      %mul3A_151 = arith.constant 8 : i32
      %mul3A_152 = arith.muli %add3A_135, %mul3A_151 : i32
      %add3A_153 = arith.constant 1 : i32
      %add3A_154 = arith.addi %mul3A_152, %add3A_153 : i32
      %dma_start3A_155 = arith.constant 1 : i32
      %dma_start3A_156 = arith.constant 0 : i32
      %dma_start3A_157 = arith.constant 0 : i32
      %dma_start3A_158 = tpu.memref_slice %arg7[%dma_start3A_155, %dma_start3A_156, %dma_start3A_157] : memref<8x26x128xf32, #tpu.memory_space<vmem>> -> memref<1x26x128xf32, #tpu.memory_space<vmem>>
      %dma_start3A_159 = tpu.memref_squeeze %dma_start3A_158 : memref<1x26x128xf32, #tpu.memory_space<vmem>> -> memref<26x128xf32, #tpu.memory_space<vmem>>
      %dma_start3A_160 = arith.constant 0 : i32
      %dma_start3A_161 = tpu.memref_slice %arg5[%add3A_154, %dma_start3A_160] : memref<512x26xi32, #tpu.memory_space<vmem>> -> memref<1x26xi32, #tpu.memory_space<vmem>>
      %dma_start3A_162 = tpu.memref_squeeze %dma_start3A_161 : memref<1x26xi32, #tpu.memory_space<vmem>> -> memref<26xi32, #tpu.memory_space<vmem>>
      %dma_start3A_163 = arith.constant 0 : i32
      %dma_start3A_164 = arith.constant 0 : i32
      %dma_start3A_165 = tpu.memref_slice %arg3[%dma_start3A_163, %dma_start3A_164] : memref<1000000x128xf32, #tpu.memory_space<hbm>> -> memref<1000000x128xf32, #tpu.memory_space<hbm>>
      tpu.enqueue_indirect_dma source(%dma_start3A_165 : memref<1000000x128xf32, #tpu.memory_space<hbm>>) target(%dma_start3A_159 : memref<26x128xf32, #tpu.memory_space<vmem>>) offsets(%dma_start3A_162 : memref<26xi32, #tpu.memory_space<vmem>>) semaphore(%arg11 : memref<!tpu.dma_semaphore, #tpu.memory_space<semaphore_mem>>)
      %mul3A_166 = arith.constant 8 : i32
      %mul3A_167 = arith.muli %add3A_135, %mul3A_166 : i32
      %add3A_168 = arith.constant 2 : i32
      %add3A_169 = arith.addi %mul3A_167, %add3A_168 : i32
      %dma_start3A_170 = arith.constant 2 : i32
      %dma_start3A_171 = arith.constant 0 : i32
      %dma_start3A_172 = arith.constant 0 : i32
      %dma_start3A_173 = tpu.memref_slice %arg7[%dma_start3A_170, %dma_start3A_171, %dma_start3A_172] : memref<8x26x128xf32, #tpu.memory_space<vmem>> -> memref<1x26x128xf32, #tpu.memory_space<vmem>>
      %dma_start3A_174 = tpu.memref_squeeze %dma_start3A_173 : memref<1x26x128xf32, #tpu.memory_space<vmem>> -> memref<26x128xf32, #tpu.memory_space<vmem>>
      %dma_start3A_175 = arith.constant 0 : i32
      %dma_start3A_176 = tpu.memref_slice %arg5[%add3A_169, %dma_start3A_175] : memref<512x26xi32, #tpu.memory_space<vmem>> -> memref<1x26xi32, #tpu.memory_space<vmem>>
      %dma_start3A_177 = tpu.memref_squeeze %dma_start3A_176 : memref<1x26xi32, #tpu.memory_space<vmem>> -> memref<26xi32, #tpu.memory_space<vmem>>
      %dma_start3A_178 = arith.constant 0 : i32
      %dma_start3A_179 = arith.constant 0 : i32
      %dma_start3A_180 = tpu.memref_slice %arg3[%dma_start3A_178, %dma_start3A_179] : memref<1000000x128xf32, #tpu.memory_space<hbm>> -> memref<1000000x128xf32, #tpu.memory_space<hbm>>
      tpu.enqueue_indirect_dma source(%dma_start3A_180 : memref<1000000x128xf32, #tpu.memory_space<hbm>>) target(%dma_start3A_174 : memref<26x128xf32, #tpu.memory_space<vmem>>) offsets(%dma_start3A_177 : memref<26xi32, #tpu.memory_space<vmem>>) semaphore(%arg11 : memref<!tpu.dma_semaphore, #tpu.memory_space<semaphore_mem>>)
      %mul3A_181 = arith.constant 8 : i32
      %mul3A_182 = arith.muli %add3A_135, %mul3A_181 : i32
      %add3A_183 = arith.constant 3 : i32
      %add3A_184 = arith.addi %mul3A_182, %add3A_183 : i32
      %dma_start3A_185 = arith.constant 3 : i32
      %dma_start3A_186 = arith.constant 0 : i32
      %dma_start3A_187 = arith.constant 0 : i32
      %dma_start3A_188 = tpu.memref_slice %arg7[%dma_start3A_185, %dma_start3A_186, %dma_start3A_187] : memref<8x26x128xf32, #tpu.memory_space<vmem>> -> memref<1x26x128xf32, #tpu.memory_space<vmem>>
      %dma_start3A_189 = tpu.memref_squeeze %dma_start3A_188 : memref<1x26x128xf32, #tpu.memory_space<vmem>> -> memref<26x128xf32, #tpu.memory_space<vmem>>
      %dma_start3A_190 = arith.constant 0 : i32
      %dma_start3A_191 = tpu.memref_slice %arg5[%add3A_184, %dma_start3A_190] : memref<512x26xi32, #tpu.memory_space<vmem>> -> memref<1x26xi32, #tpu.memory_space<vmem>>
      %dma_start3A_192 = tpu.memref_squeeze %dma_start3A_191 : memref<1x26xi32, #tpu.memory_space<vmem>> -> memref<26xi32, #tpu.memory_space<vmem>>
      %dma_start3A_193 = arith.constant 0 : i32
      %dma_start3A_194 = arith.constant 0 : i32
      %dma_start3A_195 = tpu.memref_slice %arg3[%dma_start3A_193, %dma_start3A_194] : memref<1000000x128xf32, #tpu.memory_space<hbm>> -> memref<1000000x128xf32, #tpu.memory_space<hbm>>
      tpu.enqueue_indirect_dma source(%dma_start3A_195 : memref<1000000x128xf32, #tpu.memory_space<hbm>>) target(%dma_start3A_189 : memref<26x128xf32, #tpu.memory_space<vmem>>) offsets(%dma_start3A_192 : memref<26xi32, #tpu.memory_space<vmem>>) semaphore(%arg11 : memref<!tpu.dma_semaphore, #tpu.memory_space<semaphore_mem>>)
      %mul3A_196 = arith.constant 8 : i32
      %mul3A_197 = arith.muli %add3A_135, %mul3A_196 : i32
      %add3A_198 = arith.constant 4 : i32
      %add3A_199 = arith.addi %mul3A_197, %add3A_198 : i32
      %dma_start3A_200 = arith.constant 4 : i32
      %dma_start3A_201 = arith.constant 0 : i32
      %dma_start3A_202 = arith.constant 0 : i32
      %dma_start3A_203 = tpu.memref_slice %arg7[%dma_start3A_200, %dma_start3A_201, %dma_start3A_202] : memref<8x26x128xf32, #tpu.memory_space<vmem>> -> memref<1x26x128xf32, #tpu.memory_space<vmem>>
      %dma_start3A_204 = tpu.memref_squeeze %dma_start3A_203 : memref<1x26x128xf32, #tpu.memory_space<vmem>> -> memref<26x128xf32, #tpu.memory_space<vmem>>
      %dma_start3A_205 = arith.constant 0 : i32
      %dma_start3A_206 = tpu.memref_slice %arg5[%add3A_199, %dma_start3A_205] : memref<512x26xi32, #tpu.memory_space<vmem>> -> memref<1x26xi32, #tpu.memory_space<vmem>>
      %dma_start3A_207 = tpu.memref_squeeze %dma_start3A_206 : memref<1x26xi32, #tpu.memory_space<vmem>> -> memref<26xi32, #tpu.memory_space<vmem>>
      %dma_start3A_208 = arith.constant 0 : i32
      %dma_start3A_209 = arith.constant 0 : i32
      %dma_start3A_210 = tpu.memref_slice %arg3[%dma_start3A_208, %dma_start3A_209] : memref<1000000x128xf32, #tpu.memory_space<hbm>> -> memref<1000000x128xf32, #tpu.memory_space<hbm>>
      tpu.enqueue_indirect_dma source(%dma_start3A_210 : memref<1000000x128xf32, #tpu.memory_space<hbm>>) target(%dma_start3A_204 : memref<26x128xf32, #tpu.memory_space<vmem>>) offsets(%dma_start3A_207 : memref<26xi32, #tpu.memory_space<vmem>>) semaphore(%arg11 : memref<!tpu.dma_semaphore, #tpu.memory_space<semaphore_mem>>)
      %mul3A_211 = arith.constant 8 : i32
      %mul3A_212 = arith.muli %add3A_135, %mul3A_211 : i32
      %add3A_213 = arith.constant 5 : i32
      %add3A_214 = arith.addi %mul3A_212, %add3A_213 : i32
      %dma_start3A_215 = arith.constant 5 : i32
      %dma_start3A_216 = arith.constant 0 : i32
      %dma_start3A_217 = arith.constant 0 : i32
      %dma_start3A_218 = tpu.memref_slice %arg7[%dma_start3A_215, %dma_start3A_216, %dma_start3A_217] : memref<8x26x128xf32, #tpu.memory_space<vmem>> -> memref<1x26x128xf32, #tpu.memory_space<vmem>>
      %dma_start3A_219 = tpu.memref_squeeze %dma_start3A_218 : memref<1x26x128xf32, #tpu.memory_space<vmem>> -> memref<26x128xf32, #tpu.memory_space<vmem>>
      %dma_start3A_220 = arith.constant 0 : i32
      %dma_start3A_221 = tpu.memref_slice %arg5[%add3A_214, %dma_start3A_220] : memref<512x26xi32, #tpu.memory_space<vmem>> -> memref<1x26xi32, #tpu.memory_space<vmem>>
      %dma_start3A_222 = tpu.memref_squeeze %dma_start3A_221 : memref<1x26xi32, #tpu.memory_space<vmem>> -> memref<26xi32, #tpu.memory_space<vmem>>
      %dma_start3A_223 = arith.constant 0 : i32
      %dma_start3A_224 = arith.constant 0 : i32
      %dma_start3A_225 = tpu.memref_slice %arg3[%dma_start3A_223, %dma_start3A_224] : memref<1000000x128xf32, #tpu.memory_space<hbm>> -> memref<1000000x128xf32, #tpu.memory_space<hbm>>
      tpu.enqueue_indirect_dma source(%dma_start3A_225 : memref<1000000x128xf32, #tpu.memory_space<hbm>>) target(%dma_start3A_219 : memref<26x128xf32, #tpu.memory_space<vmem>>) offsets(%dma_start3A_222 : memref<26xi32, #tpu.memory_space<vmem>>) semaphore(%arg11 : memref<!tpu.dma_semaphore, #tpu.memory_space<semaphore_mem>>)
      %mul3A_226 = arith.constant 8 : i32
      %mul3A_227 = arith.muli %add3A_135, %mul3A_226 : i32
      %add3A_228 = arith.constant 6 : i32
      %add3A_229 = arith.addi %mul3A_227, %add3A_228 : i32
      %dma_start3A_230 = arith.constant 6 : i32
      %dma_start3A_231 = arith.constant 0 : i32
      %dma_start3A_232 = arith.constant 0 : i32
      %dma_start3A_233 = tpu.memref_slice %arg7[%dma_start3A_230, %dma_start3A_231, %dma_start3A_232] : memref<8x26x128xf32, #tpu.memory_space<vmem>> -> memref<1x26x128xf32, #tpu.memory_space<vmem>>
      %dma_start3A_234 = tpu.memref_squeeze %dma_start3A_233 : memref<1x26x128xf32, #tpu.memory_space<vmem>> -> memref<26x128xf32, #tpu.memory_space<vmem>>
      %dma_start3A_235 = arith.constant 0 : i32
      %dma_start3A_236 = tpu.memref_slice %arg5[%add3A_229, %dma_start3A_235] : memref<512x26xi32, #tpu.memory_space<vmem>> -> memref<1x26xi32, #tpu.memory_space<vmem>>
      %dma_start3A_237 = tpu.memref_squeeze %dma_start3A_236 : memref<1x26xi32, #tpu.memory_space<vmem>> -> memref<26xi32, #tpu.memory_space<vmem>>
      %dma_start3A_238 = arith.constant 0 : i32
      %dma_start3A_239 = arith.constant 0 : i32
      %dma_start3A_240 = tpu.memref_slice %arg3[%dma_start3A_238, %dma_start3A_239] : memref<1000000x128xf32, #tpu.memory_space<hbm>> -> memref<1000000x128xf32, #tpu.memory_space<hbm>>
      tpu.enqueue_indirect_dma source(%dma_start3A_240 : memref<1000000x128xf32, #tpu.memory_space<hbm>>) target(%dma_start3A_234 : memref<26x128xf32, #tpu.memory_space<vmem>>) offsets(%dma_start3A_237 : memref<26xi32, #tpu.memory_space<vmem>>) semaphore(%arg11 : memref<!tpu.dma_semaphore, #tpu.memory_space<semaphore_mem>>)
      %mul3A_241 = arith.constant 8 : i32
      %mul3A_242 = arith.muli %add3A_135, %mul3A_241 : i32
      %add3A_243 = arith.constant 7 : i32
      %add3A_244 = arith.addi %mul3A_242, %add3A_243 : i32
      %dma_start3A_245 = arith.constant 7 : i32
      %dma_start3A_246 = arith.constant 0 : i32
      %dma_start3A_247 = arith.constant 0 : i32
      %dma_start3A_248 = tpu.memref_slice %arg7[%dma_start3A_245, %dma_start3A_246, %dma_start3A_247] : memref<8x26x128xf32, #tpu.memory_space<vmem>> -> memref<1x26x128xf32, #tpu.memory_space<vmem>>
      %dma_start3A_249 = tpu.memref_squeeze %dma_start3A_248 : memref<1x26x128xf32, #tpu.memory_space<vmem>> -> memref<26x128xf32, #tpu.memory_space<vmem>>
      %dma_start3A_250 = arith.constant 0 : i32
      %dma_start3A_251 = tpu.memref_slice %arg5[%add3A_244, %dma_start3A_250] : memref<512x26xi32, #tpu.memory_space<vmem>> -> memref<1x26xi32, #tpu.memory_space<vmem>>
      %dma_start3A_252 = tpu.memref_squeeze %dma_start3A_251 : memref<1x26xi32, #tpu.memory_space<vmem>> -> memref<26xi32, #tpu.memory_space<vmem>>
      %dma_start3A_253 = arith.constant 0 : i32
      %dma_start3A_254 = arith.constant 0 : i32
      %dma_start3A_255 = tpu.memref_slice %arg3[%dma_start3A_253, %dma_start3A_254] : memref<1000000x128xf32, #tpu.memory_space<hbm>> -> memref<1000000x128xf32, #tpu.memory_space<hbm>>
      tpu.enqueue_indirect_dma source(%dma_start3A_255 : memref<1000000x128xf32, #tpu.memory_space<hbm>>) target(%dma_start3A_249 : memref<26x128xf32, #tpu.memory_space<vmem>>) offsets(%dma_start3A_252 : memref<26xi32, #tpu.memory_space<vmem>>) semaphore(%arg11 : memref<!tpu.dma_semaphore, #tpu.memory_space<semaphore_mem>>)
      %mul3A_256 = arith.constant 4 : i32
      %mul3A_257 = arith.muli %scan3A_8, %mul3A_256 : i32
      %add3A_258 = arith.constant 2 : i32
      %add3A_259 = arith.addi %mul3A_257, %add3A_258 : i32
      %mul3A_260 = arith.constant 8 : i32
      %mul3A_261 = arith.muli %add3A_259, %mul3A_260 : i32
      %add3A_262 = arith.constant 0 : i32
      %add3A_263 = arith.addi %mul3A_261, %add3A_262 : i32
      %dma_start3A_264 = arith.constant 0 : i32
      %dma_start3A_265 = arith.constant 0 : i32
      %dma_start3A_266 = arith.constant 0 : i32
      %dma_start3A_267 = tpu.memref_slice %arg8[%dma_start3A_264, %dma_start3A_265, %dma_start3A_266] : memref<8x26x128xf32, #tpu.memory_space<vmem>> -> memref<1x26x128xf32, #tpu.memory_space<vmem>>
      %dma_start3A_268 = tpu.memref_squeeze %dma_start3A_267 : memref<1x26x128xf32, #tpu.memory_space<vmem>> -> memref<26x128xf32, #tpu.memory_space<vmem>>
      %dma_start3A_269 = arith.constant 0 : i32
      %dma_start3A_270 = tpu.memref_slice %arg5[%add3A_263, %dma_start3A_269] : memref<512x26xi32, #tpu.memory_space<vmem>> -> memref<1x26xi32, #tpu.memory_space<vmem>>
      %dma_start3A_271 = tpu.memref_squeeze %dma_start3A_270 : memref<1x26xi32, #tpu.memory_space<vmem>> -> memref<26xi32, #tpu.memory_space<vmem>>
      %dma_start3A_272 = arith.constant 0 : i32
      %dma_start3A_273 = arith.constant 0 : i32
      %dma_start3A_274 = tpu.memref_slice %arg3[%dma_start3A_272, %dma_start3A_273] : memref<1000000x128xf32, #tpu.memory_space<hbm>> -> memref<1000000x128xf32, #tpu.memory_space<hbm>>
      tpu.enqueue_indirect_dma source(%dma_start3A_274 : memref<1000000x128xf32, #tpu.memory_space<hbm>>) target(%dma_start3A_268 : memref<26x128xf32, #tpu.memory_space<vmem>>) offsets(%dma_start3A_271 : memref<26xi32, #tpu.memory_space<vmem>>) semaphore(%arg12 : memref<!tpu.dma_semaphore, #tpu.memory_space<semaphore_mem>>)
      %mul3A_275 = arith.constant 8 : i32
      %mul3A_276 = arith.muli %add3A_259, %mul3A_275 : i32
      %add3A_277 = arith.constant 1 : i32
      %add3A_278 = arith.addi %mul3A_276, %add3A_277 : i32
      %dma_start3A_279 = arith.constant 1 : i32
      %dma_start3A_280 = arith.constant 0 : i32
      %dma_start3A_281 = arith.constant 0 : i32
      %dma_start3A_282 = tpu.memref_slice %arg8[%dma_start3A_279, %dma_start3A_280, %dma_start3A_281] : memref<8x26x128xf32, #tpu.memory_space<vmem>> -> memref<1x26x128xf32, #tpu.memory_space<vmem>>
      %dma_start3A_283 = tpu.memref_squeeze %dma_start3A_282 : memref<1x26x128xf32, #tpu.memory_space<vmem>> -> memref<26x128xf32, #tpu.memory_space<vmem>>
      %dma_start3A_284 = arith.constant 0 : i32
      %dma_start3A_285 = tpu.memref_slice %arg5[%add3A_278, %dma_start3A_284] : memref<512x26xi32, #tpu.memory_space<vmem>> -> memref<1x26xi32, #tpu.memory_space<vmem>>
      %dma_start3A_286 = tpu.memref_squeeze %dma_start3A_285 : memref<1x26xi32, #tpu.memory_space<vmem>> -> memref<26xi32, #tpu.memory_space<vmem>>
      %dma_start3A_287 = arith.constant 0 : i32
      %dma_start3A_288 = arith.constant 0 : i32
      %dma_start3A_289 = tpu.memref_slice %arg3[%dma_start3A_287, %dma_start3A_288] : memref<1000000x128xf32, #tpu.memory_space<hbm>> -> memref<1000000x128xf32, #tpu.memory_space<hbm>>
      tpu.enqueue_indirect_dma source(%dma_start3A_289 : memref<1000000x128xf32, #tpu.memory_space<hbm>>) target(%dma_start3A_283 : memref<26x128xf32, #tpu.memory_space<vmem>>) offsets(%dma_start3A_286 : memref<26xi32, #tpu.memory_space<vmem>>) semaphore(%arg12 : memref<!tpu.dma_semaphore, #tpu.memory_space<semaphore_mem>>)
      %mul3A_290 = arith.constant 8 : i32
      %mul3A_291 = arith.muli %add3A_259, %mul3A_290 : i32
      %add3A_292 = arith.constant 2 : i32
      %add3A_293 = arith.addi %mul3A_291, %add3A_292 : i32
      %dma_start3A_294 = arith.constant 2 : i32
      %dma_start3A_295 = arith.constant 0 : i32
      %dma_start3A_296 = arith.constant 0 : i32
      %dma_start3A_297 = tpu.memref_slice %arg8[%dma_start3A_294, %dma_start3A_295, %dma_start3A_296] : memref<8x26x128xf32, #tpu.memory_space<vmem>> -> memref<1x26x128xf32, #tpu.memory_space<vmem>>
      %dma_start3A_298 = tpu.memref_squeeze %dma_start3A_297 : memref<1x26x128xf32, #tpu.memory_space<vmem>> -> memref<26x128xf32, #tpu.memory_space<vmem>>
      %dma_start3A_299 = arith.constant 0 : i32
      %dma_start3A_300 = tpu.memref_slice %arg5[%add3A_293, %dma_start3A_299] : memref<512x26xi32, #tpu.memory_space<vmem>> -> memref<1x26xi32, #tpu.memory_space<vmem>>
      %dma_start3A_301 = tpu.memref_squeeze %dma_start3A_300 : memref<1x26xi32, #tpu.memory_space<vmem>> -> memref<26xi32, #tpu.memory_space<vmem>>
      %dma_start3A_302 = arith.constant 0 : i32
      %dma_start3A_303 = arith.constant 0 : i32
      %dma_start3A_304 = tpu.memref_slice %arg3[%dma_start3A_302, %dma_start3A_303] : memref<1000000x128xf32, #tpu.memory_space<hbm>> -> memref<1000000x128xf32, #tpu.memory_space<hbm>>
      tpu.enqueue_indirect_dma source(%dma_start3A_304 : memref<1000000x128xf32, #tpu.memory_space<hbm>>) target(%dma_start3A_298 : memref<26x128xf32, #tpu.memory_space<vmem>>) offsets(%dma_start3A_301 : memref<26xi32, #tpu.memory_space<vmem>>) semaphore(%arg12 : memref<!tpu.dma_semaphore, #tpu.memory_space<semaphore_mem>>)
      %mul3A_305 = arith.constant 8 : i32
      %mul3A_306 = arith.muli %add3A_259, %mul3A_305 : i32
      %add3A_307 = arith.constant 3 : i32
      %add3A_308 = arith.addi %mul3A_306, %add3A_307 : i32
      %dma_start3A_309 = arith.constant 3 : i32
      %dma_start3A_310 = arith.constant 0 : i32
      %dma_start3A_311 = arith.constant 0 : i32
      %dma_start3A_312 = tpu.memref_slice %arg8[%dma_start3A_309, %dma_start3A_310, %dma_start3A_311] : memref<8x26x128xf32, #tpu.memory_space<vmem>> -> memref<1x26x128xf32, #tpu.memory_space<vmem>>
      %dma_start3A_313 = tpu.memref_squeeze %dma_start3A_312 : memref<1x26x128xf32, #tpu.memory_space<vmem>> -> memref<26x128xf32, #tpu.memory_space<vmem>>
      %dma_start3A_314 = arith.constant 0 : i32
      %dma_start3A_315 = tpu.memref_slice %arg5[%add3A_308, %dma_start3A_314] : memref<512x26xi32, #tpu.memory_space<vmem>> -> memref<1x26xi32, #tpu.memory_space<vmem>>
      %dma_start3A_316 = tpu.memref_squeeze %dma_start3A_315 : memref<1x26xi32, #tpu.memory_space<vmem>> -> memref<26xi32, #tpu.memory_space<vmem>>
      %dma_start3A_317 = arith.constant 0 : i32
      %dma_start3A_318 = arith.constant 0 : i32
      %dma_start3A_319 = tpu.memref_slice %arg3[%dma_start3A_317, %dma_start3A_318] : memref<1000000x128xf32, #tpu.memory_space<hbm>> -> memref<1000000x128xf32, #tpu.memory_space<hbm>>
      tpu.enqueue_indirect_dma source(%dma_start3A_319 : memref<1000000x128xf32, #tpu.memory_space<hbm>>) target(%dma_start3A_313 : memref<26x128xf32, #tpu.memory_space<vmem>>) offsets(%dma_start3A_316 : memref<26xi32, #tpu.memory_space<vmem>>) semaphore(%arg12 : memref<!tpu.dma_semaphore, #tpu.memory_space<semaphore_mem>>)
      %mul3A_320 = arith.constant 8 : i32
      %mul3A_321 = arith.muli %add3A_259, %mul3A_320 : i32
      %add3A_322 = arith.constant 4 : i32
      %add3A_323 = arith.addi %mul3A_321, %add3A_322 : i32
      %dma_start3A_324 = arith.constant 4 : i32
      %dma_start3A_325 = arith.constant 0 : i32
      %dma_start3A_326 = arith.constant 0 : i32
      %dma_start3A_327 = tpu.memref_slice %arg8[%dma_start3A_324, %dma_start3A_325, %dma_start3A_326] : memref<8x26x128xf32, #tpu.memory_space<vmem>> -> memref<1x26x128xf32, #tpu.memory_space<vmem>>
      %dma_start3A_328 = tpu.memref_squeeze %dma_start3A_327 : memref<1x26x128xf32, #tpu.memory_space<vmem>> -> memref<26x128xf32, #tpu.memory_space<vmem>>
      %dma_start3A_329 = arith.constant 0 : i32
      %dma_start3A_330 = tpu.memref_slice %arg5[%add3A_323, %dma_start3A_329] : memref<512x26xi32, #tpu.memory_space<vmem>> -> memref<1x26xi32, #tpu.memory_space<vmem>>
      %dma_start3A_331 = tpu.memref_squeeze %dma_start3A_330 : memref<1x26xi32, #tpu.memory_space<vmem>> -> memref<26xi32, #tpu.memory_space<vmem>>
      %dma_start3A_332 = arith.constant 0 : i32
      %dma_start3A_333 = arith.constant 0 : i32
      %dma_start3A_334 = tpu.memref_slice %arg3[%dma_start3A_332, %dma_start3A_333] : memref<1000000x128xf32, #tpu.memory_space<hbm>> -> memref<1000000x128xf32, #tpu.memory_space<hbm>>
      tpu.enqueue_indirect_dma source(%dma_start3A_334 : memref<1000000x128xf32, #tpu.memory_space<hbm>>) target(%dma_start3A_328 : memref<26x128xf32, #tpu.memory_space<vmem>>) offsets(%dma_start3A_331 : memref<26xi32, #tpu.memory_space<vmem>>) semaphore(%arg12 : memref<!tpu.dma_semaphore, #tpu.memory_space<semaphore_mem>>)
      %mul3A_335 = arith.constant 8 : i32
      %mul3A_336 = arith.muli %add3A_259, %mul3A_335 : i32
      %add3A_337 = arith.constant 5 : i32
      %add3A_338 = arith.addi %mul3A_336, %add3A_337 : i32
      %dma_start3A_339 = arith.constant 5 : i32
      %dma_start3A_340 = arith.constant 0 : i32
      %dma_start3A_341 = arith.constant 0 : i32
      %dma_start3A_342 = tpu.memref_slice %arg8[%dma_start3A_339, %dma_start3A_340, %dma_start3A_341] : memref<8x26x128xf32, #tpu.memory_space<vmem>> -> memref<1x26x128xf32, #tpu.memory_space<vmem>>
      %dma_start3A_343 = tpu.memref_squeeze %dma_start3A_342 : memref<1x26x128xf32, #tpu.memory_space<vmem>> -> memref<26x128xf32, #tpu.memory_space<vmem>>
      %dma_start3A_344 = arith.constant 0 : i32
      %dma_start3A_345 = tpu.memref_slice %arg5[%add3A_338, %dma_start3A_344] : memref<512x26xi32, #tpu.memory_space<vmem>> -> memref<1x26xi32, #tpu.memory_space<vmem>>
      %dma_start3A_346 = tpu.memref_squeeze %dma_start3A_345 : memref<1x26xi32, #tpu.memory_space<vmem>> -> memref<26xi32, #tpu.memory_space<vmem>>
      %dma_start3A_347 = arith.constant 0 : i32
      %dma_start3A_348 = arith.constant 0 : i32
      %dma_start3A_349 = tpu.memref_slice %arg3[%dma_start3A_347, %dma_start3A_348] : memref<1000000x128xf32, #tpu.memory_space<hbm>> -> memref<1000000x128xf32, #tpu.memory_space<hbm>>
      tpu.enqueue_indirect_dma source(%dma_start3A_349 : memref<1000000x128xf32, #tpu.memory_space<hbm>>) target(%dma_start3A_343 : memref<26x128xf32, #tpu.memory_space<vmem>>) offsets(%dma_start3A_346 : memref<26xi32, #tpu.memory_space<vmem>>) semaphore(%arg12 : memref<!tpu.dma_semaphore, #tpu.memory_space<semaphore_mem>>)
      %mul3A_350 = arith.constant 8 : i32
      %mul3A_351 = arith.muli %add3A_259, %mul3A_350 : i32
      %add3A_352 = arith.constant 6 : i32
      %add3A_353 = arith.addi %mul3A_351, %add3A_352 : i32
      %dma_start3A_354 = arith.constant 6 : i32
      %dma_start3A_355 = arith.constant 0 : i32
      %dma_start3A_356 = arith.constant 0 : i32
      %dma_start3A_357 = tpu.memref_slice %arg8[%dma_start3A_354, %dma_start3A_355, %dma_start3A_356] : memref<8x26x128xf32, #tpu.memory_space<vmem>> -> memref<1x26x128xf32, #tpu.memory_space<vmem>>
      %dma_start3A_358 = tpu.memref_squeeze %dma_start3A_357 : memref<1x26x128xf32, #tpu.memory_space<vmem>> -> memref<26x128xf32, #tpu.memory_space<vmem>>
      %dma_start3A_359 = arith.constant 0 : i32
      %dma_start3A_360 = tpu.memref_slice %arg5[%add3A_353, %dma_start3A_359] : memref<512x26xi32, #tpu.memory_space<vmem>> -> memref<1x26xi32, #tpu.memory_space<vmem>>
      %dma_start3A_361 = tpu.memref_squeeze %dma_start3A_360 : memref<1x26xi32, #tpu.memory_space<vmem>> -> memref<26xi32, #tpu.memory_space<vmem>>
      %dma_start3A_362 = arith.constant 0 : i32
      %dma_start3A_363 = arith.constant 0 : i32
      %dma_start3A_364 = tpu.memref_slice %arg3[%dma_start3A_362, %dma_start3A_363] : memref<1000000x128xf32, #tpu.memory_space<hbm>> -> memref<1000000x128xf32, #tpu.memory_space<hbm>>
      tpu.enqueue_indirect_dma source(%dma_start3A_364 : memref<1000000x128xf32, #tpu.memory_space<hbm>>) target(%dma_start3A_358 : memref<26x128xf32, #tpu.memory_space<vmem>>) offsets(%dma_start3A_361 : memref<26xi32, #tpu.memory_space<vmem>>) semaphore(%arg12 : memref<!tpu.dma_semaphore, #tpu.memory_space<semaphore_mem>>)
      %mul3A_365 = arith.constant 8 : i32
      %mul3A_366 = arith.muli %add3A_259, %mul3A_365 : i32
      %add3A_367 = arith.constant 7 : i32
      %add3A_368 = arith.addi %mul3A_366, %add3A_367 : i32
      %dma_start3A_369 = arith.constant 7 : i32
      %dma_start3A_370 = arith.constant 0 : i32
      %dma_start3A_371 = arith.constant 0 : i32
      %dma_start3A_372 = tpu.memref_slice %arg8[%dma_start3A_369, %dma_start3A_370, %dma_start3A_371] : memref<8x26x128xf32, #tpu.memory_space<vmem>> -> memref<1x26x128xf32, #tpu.memory_space<vmem>>
      %dma_start3A_373 = tpu.memref_squeeze %dma_start3A_372 : memref<1x26x128xf32, #tpu.memory_space<vmem>> -> memref<26x128xf32, #tpu.memory_space<vmem>>
      %dma_start3A_374 = arith.constant 0 : i32
      %dma_start3A_375 = tpu.memref_slice %arg5[%add3A_368, %dma_start3A_374] : memref<512x26xi32, #tpu.memory_space<vmem>> -> memref<1x26xi32, #tpu.memory_space<vmem>>
      %dma_start3A_376 = tpu.memref_squeeze %dma_start3A_375 : memref<1x26xi32, #tpu.memory_space<vmem>> -> memref<26xi32, #tpu.memory_space<vmem>>
      %dma_start3A_377 = arith.constant 0 : i32
      %dma_start3A_378 = arith.constant 0 : i32
      %dma_start3A_379 = tpu.memref_slice %arg3[%dma_start3A_377, %dma_start3A_378] : memref<1000000x128xf32, #tpu.memory_space<hbm>> -> memref<1000000x128xf32, #tpu.memory_space<hbm>>
      tpu.enqueue_indirect_dma source(%dma_start3A_379 : memref<1000000x128xf32, #tpu.memory_space<hbm>>) target(%dma_start3A_373 : memref<26x128xf32, #tpu.memory_space<vmem>>) offsets(%dma_start3A_376 : memref<26xi32, #tpu.memory_space<vmem>>) semaphore(%arg12 : memref<!tpu.dma_semaphore, #tpu.memory_space<semaphore_mem>>)
      %mul3A_380 = arith.constant 4 : i32
      %mul3A_381 = arith.muli %scan3A_8, %mul3A_380 : i32
      %add3A_382 = arith.constant 3 : i32
      %add3A_383 = arith.addi %mul3A_381, %add3A_382 : i32
      %mul3A_384 = arith.constant 8 : i32
      %mul3A_385 = arith.muli %add3A_383, %mul3A_384 : i32
      %add3A_386 = arith.constant 0 : i32
      %add3A_387 = arith.addi %mul3A_385, %add3A_386 : i32
      %dma_start3A_388 = arith.constant 0 : i32
      %dma_start3A_389 = arith.constant 0 : i32
      %dma_start3A_390 = arith.constant 0 : i32
      %dma_start3A_391 = tpu.memref_slice %arg9[%dma_start3A_388, %dma_start3A_389, %dma_start3A_390] : memref<8x26x128xf32, #tpu.memory_space<vmem>> -> memref<1x26x128xf32, #tpu.memory_space<vmem>>
      %dma_start3A_392 = tpu.memref_squeeze %dma_start3A_391 : memref<1x26x128xf32, #tpu.memory_space<vmem>> -> memref<26x128xf32, #tpu.memory_space<vmem>>
      %dma_start3A_393 = arith.constant 0 : i32
      %dma_start3A_394 = tpu.memref_slice %arg5[%add3A_387, %dma_start3A_393] : memref<512x26xi32, #tpu.memory_space<vmem>> -> memref<1x26xi32, #tpu.memory_space<vmem>>
      %dma_start3A_395 = tpu.memref_squeeze %dma_start3A_394 : memref<1x26xi32, #tpu.memory_space<vmem>> -> memref<26xi32, #tpu.memory_space<vmem>>
      %dma_start3A_396 = arith.constant 0 : i32
      %dma_start3A_397 = arith.constant 0 : i32
      %dma_start3A_398 = tpu.memref_slice %arg3[%dma_start3A_396, %dma_start3A_397] : memref<1000000x128xf32, #tpu.memory_space<hbm>> -> memref<1000000x128xf32, #tpu.memory_space<hbm>>
      tpu.enqueue_indirect_dma source(%dma_start3A_398 : memref<1000000x128xf32, #tpu.memory_space<hbm>>) target(%dma_start3A_392 : memref<26x128xf32, #tpu.memory_space<vmem>>) offsets(%dma_start3A_395 : memref<26xi32, #tpu.memory_space<vmem>>) semaphore(%arg13 : memref<!tpu.dma_semaphore, #tpu.memory_space<semaphore_mem>>)
      %mul3A_399 = arith.constant 8 : i32
      %mul3A_400 = arith.muli %add3A_383, %mul3A_399 : i32
      %add3A_401 = arith.constant 1 : i32
      %add3A_402 = arith.addi %mul3A_400, %add3A_401 : i32
      %dma_start3A_403 = arith.constant 1 : i32
      %dma_start3A_404 = arith.constant 0 : i32
      %dma_start3A_405 = arith.constant 0 : i32
      %dma_start3A_406 = tpu.memref_slice %arg9[%dma_start3A_403, %dma_start3A_404, %dma_start3A_405] : memref<8x26x128xf32, #tpu.memory_space<vmem>> -> memref<1x26x128xf32, #tpu.memory_space<vmem>>
      %dma_start3A_407 = tpu.memref_squeeze %dma_start3A_406 : memref<1x26x128xf32, #tpu.memory_space<vmem>> -> memref<26x128xf32, #tpu.memory_space<vmem>>
      %dma_start3A_408 = arith.constant 0 : i32
      %dma_start3A_409 = tpu.memref_slice %arg5[%add3A_402, %dma_start3A_408] : memref<512x26xi32, #tpu.memory_space<vmem>> -> memref<1x26xi32, #tpu.memory_space<vmem>>
      %dma_start3A_410 = tpu.memref_squeeze %dma_start3A_409 : memref<1x26xi32, #tpu.memory_space<vmem>> -> memref<26xi32, #tpu.memory_space<vmem>>
      %dma_start3A_411 = arith.constant 0 : i32
      %dma_start3A_412 = arith.constant 0 : i32
      %dma_start3A_413 = tpu.memref_slice %arg3[%dma_start3A_411, %dma_start3A_412] : memref<1000000x128xf32, #tpu.memory_space<hbm>> -> memref<1000000x128xf32, #tpu.memory_space<hbm>>
      tpu.enqueue_indirect_dma source(%dma_start3A_413 : memref<1000000x128xf32, #tpu.memory_space<hbm>>) target(%dma_start3A_407 : memref<26x128xf32, #tpu.memory_space<vmem>>) offsets(%dma_start3A_410 : memref<26xi32, #tpu.memory_space<vmem>>) semaphore(%arg13 : memref<!tpu.dma_semaphore, #tpu.memory_space<semaphore_mem>>)
      %mul3A_414 = arith.constant 8 : i32
      %mul3A_415 = arith.muli %add3A_383, %mul3A_414 : i32
      %add3A_416 = arith.constant 2 : i32
      %add3A_417 = arith.addi %mul3A_415, %add3A_416 : i32
      %dma_start3A_418 = arith.constant 2 : i32
      %dma_start3A_419 = arith.constant 0 : i32
      %dma_start3A_420 = arith.constant 0 : i32
      %dma_start3A_421 = tpu.memref_slice %arg9[%dma_start3A_418, %dma_start3A_419, %dma_start3A_420] : memref<8x26x128xf32, #tpu.memory_space<vmem>> -> memref<1x26x128xf32, #tpu.memory_space<vmem>>
      %dma_start3A_422 = tpu.memref_squeeze %dma_start3A_421 : memref<1x26x128xf32, #tpu.memory_space<vmem>> -> memref<26x128xf32, #tpu.memory_space<vmem>>
      %dma_start3A_423 = arith.constant 0 : i32
      %dma_start3A_424 = tpu.memref_slice %arg5[%add3A_417, %dma_start3A_423] : memref<512x26xi32, #tpu.memory_space<vmem>> -> memref<1x26xi32, #tpu.memory_space<vmem>>
      %dma_start3A_425 = tpu.memref_squeeze %dma_start3A_424 : memref<1x26xi32, #tpu.memory_space<vmem>> -> memref<26xi32, #tpu.memory_space<vmem>>
      %dma_start3A_426 = arith.constant 0 : i32
      %dma_start3A_427 = arith.constant 0 : i32
      %dma_start3A_428 = tpu.memref_slice %arg3[%dma_start3A_426, %dma_start3A_427] : memref<1000000x128xf32, #tpu.memory_space<hbm>> -> memref<1000000x128xf32, #tpu.memory_space<hbm>>
      tpu.enqueue_indirect_dma source(%dma_start3A_428 : memref<1000000x128xf32, #tpu.memory_space<hbm>>) target(%dma_start3A_422 : memref<26x128xf32, #tpu.memory_space<vmem>>) offsets(%dma_start3A_425 : memref<26xi32, #tpu.memory_space<vmem>>) semaphore(%arg13 : memref<!tpu.dma_semaphore, #tpu.memory_space<semaphore_mem>>)
      %mul3A_429 = arith.constant 8 : i32
      %mul3A_430 = arith.muli %add3A_383, %mul3A_429 : i32
      %add3A_431 = arith.constant 3 : i32
      %add3A_432 = arith.addi %mul3A_430, %add3A_431 : i32
      %dma_start3A_433 = arith.constant 3 : i32
      %dma_start3A_434 = arith.constant 0 : i32
      %dma_start3A_435 = arith.constant 0 : i32
      %dma_start3A_436 = tpu.memref_slice %arg9[%dma_start3A_433, %dma_start3A_434, %dma_start3A_435] : memref<8x26x128xf32, #tpu.memory_space<vmem>> -> memref<1x26x128xf32, #tpu.memory_space<vmem>>
      %dma_start3A_437 = tpu.memref_squeeze %dma_start3A_436 : memref<1x26x128xf32, #tpu.memory_space<vmem>> -> memref<26x128xf32, #tpu.memory_space<vmem>>
      %dma_start3A_438 = arith.constant 0 : i32
      %dma_start3A_439 = tpu.memref_slice %arg5[%add3A_432, %dma_start3A_438] : memref<512x26xi32, #tpu.memory_space<vmem>> -> memref<1x26xi32, #tpu.memory_space<vmem>>
      %dma_start3A_440 = tpu.memref_squeeze %dma_start3A_439 : memref<1x26xi32, #tpu.memory_space<vmem>> -> memref<26xi32, #tpu.memory_space<vmem>>
      %dma_start3A_441 = arith.constant 0 : i32
      %dma_start3A_442 = arith.constant 0 : i32
      %dma_start3A_443 = tpu.memref_slice %arg3[%dma_start3A_441, %dma_start3A_442] : memref<1000000x128xf32, #tpu.memory_space<hbm>> -> memref<1000000x128xf32, #tpu.memory_space<hbm>>
      tpu.enqueue_indirect_dma source(%dma_start3A_443 : memref<1000000x128xf32, #tpu.memory_space<hbm>>) target(%dma_start3A_437 : memref<26x128xf32, #tpu.memory_space<vmem>>) offsets(%dma_start3A_440 : memref<26xi32, #tpu.memory_space<vmem>>) semaphore(%arg13 : memref<!tpu.dma_semaphore, #tpu.memory_space<semaphore_mem>>)
      %mul3A_444 = arith.constant 8 : i32
      %mul3A_445 = arith.muli %add3A_383, %mul3A_444 : i32
      %add3A_446 = arith.constant 4 : i32
      %add3A_447 = arith.addi %mul3A_445, %add3A_446 : i32
      %dma_start3A_448 = arith.constant 4 : i32
      %dma_start3A_449 = arith.constant 0 : i32
      %dma_start3A_450 = arith.constant 0 : i32
      %dma_start3A_451 = tpu.memref_slice %arg9[%dma_start3A_448, %dma_start3A_449, %dma_start3A_450] : memref<8x26x128xf32, #tpu.memory_space<vmem>> -> memref<1x26x128xf32, #tpu.memory_space<vmem>>
      %dma_start3A_452 = tpu.memref_squeeze %dma_start3A_451 : memref<1x26x128xf32, #tpu.memory_space<vmem>> -> memref<26x128xf32, #tpu.memory_space<vmem>>
      %dma_start3A_453 = arith.constant 0 : i32
      %dma_start3A_454 = tpu.memref_slice %arg5[%add3A_447, %dma_start3A_453] : memref<512x26xi32, #tpu.memory_space<vmem>> -> memref<1x26xi32, #tpu.memory_space<vmem>>
      %dma_start3A_455 = tpu.memref_squeeze %dma_start3A_454 : memref<1x26xi32, #tpu.memory_space<vmem>> -> memref<26xi32, #tpu.memory_space<vmem>>
      %dma_start3A_456 = arith.constant 0 : i32
      %dma_start3A_457 = arith.constant 0 : i32
      %dma_start3A_458 = tpu.memref_slice %arg3[%dma_start3A_456, %dma_start3A_457] : memref<1000000x128xf32, #tpu.memory_space<hbm>> -> memref<1000000x128xf32, #tpu.memory_space<hbm>>
      tpu.enqueue_indirect_dma source(%dma_start3A_458 : memref<1000000x128xf32, #tpu.memory_space<hbm>>) target(%dma_start3A_452 : memref<26x128xf32, #tpu.memory_space<vmem>>) offsets(%dma_start3A_455 : memref<26xi32, #tpu.memory_space<vmem>>) semaphore(%arg13 : memref<!tpu.dma_semaphore, #tpu.memory_space<semaphore_mem>>)
      %mul3A_459 = arith.constant 8 : i32
      %mul3A_460 = arith.muli %add3A_383, %mul3A_459 : i32
      %add3A_461 = arith.constant 5 : i32
      %add3A_462 = arith.addi %mul3A_460, %add3A_461 : i32
      %dma_start3A_463 = arith.constant 5 : i32
      %dma_start3A_464 = arith.constant 0 : i32
      %dma_start3A_465 = arith.constant 0 : i32
      %dma_start3A_466 = tpu.memref_slice %arg9[%dma_start3A_463, %dma_start3A_464, %dma_start3A_465] : memref<8x26x128xf32, #tpu.memory_space<vmem>> -> memref<1x26x128xf32, #tpu.memory_space<vmem>>
      %dma_start3A_467 = tpu.memref_squeeze %dma_start3A_466 : memref<1x26x128xf32, #tpu.memory_space<vmem>> -> memref<26x128xf32, #tpu.memory_space<vmem>>
      %dma_start3A_468 = arith.constant 0 : i32
      %dma_start3A_469 = tpu.memref_slice %arg5[%add3A_462, %dma_start3A_468] : memref<512x26xi32, #tpu.memory_space<vmem>> -> memref<1x26xi32, #tpu.memory_space<vmem>>
      %dma_start3A_470 = tpu.memref_squeeze %dma_start3A_469 : memref<1x26xi32, #tpu.memory_space<vmem>> -> memref<26xi32, #tpu.memory_space<vmem>>
      %dma_start3A_471 = arith.constant 0 : i32
      %dma_start3A_472 = arith.constant 0 : i32
      %dma_start3A_473 = tpu.memref_slice %arg3[%dma_start3A_471, %dma_start3A_472] : memref<1000000x128xf32, #tpu.memory_space<hbm>> -> memref<1000000x128xf32, #tpu.memory_space<hbm>>
      tpu.enqueue_indirect_dma source(%dma_start3A_473 : memref<1000000x128xf32, #tpu.memory_space<hbm>>) target(%dma_start3A_467 : memref<26x128xf32, #tpu.memory_space<vmem>>) offsets(%dma_start3A_470 : memref<26xi32, #tpu.memory_space<vmem>>) semaphore(%arg13 : memref<!tpu.dma_semaphore, #tpu.memory_space<semaphore_mem>>)
      %mul3A_474 = arith.constant 8 : i32
      %mul3A_475 = arith.muli %add3A_383, %mul3A_474 : i32
      %add3A_476 = arith.constant 6 : i32
      %add3A_477 = arith.addi %mul3A_475, %add3A_476 : i32
      %dma_start3A_478 = arith.constant 6 : i32
      %dma_start3A_479 = arith.constant 0 : i32
      %dma_start3A_480 = arith.constant 0 : i32
      %dma_start3A_481 = tpu.memref_slice %arg9[%dma_start3A_478, %dma_start3A_479, %dma_start3A_480] : memref<8x26x128xf32, #tpu.memory_space<vmem>> -> memref<1x26x128xf32, #tpu.memory_space<vmem>>
      %dma_start3A_482 = tpu.memref_squeeze %dma_start3A_481 : memref<1x26x128xf32, #tpu.memory_space<vmem>> -> memref<26x128xf32, #tpu.memory_space<vmem>>
      %dma_start3A_483 = arith.constant 0 : i32
      %dma_start3A_484 = tpu.memref_slice %arg5[%add3A_477, %dma_start3A_483] : memref<512x26xi32, #tpu.memory_space<vmem>> -> memref<1x26xi32, #tpu.memory_space<vmem>>
      %dma_start3A_485 = tpu.memref_squeeze %dma_start3A_484 : memref<1x26xi32, #tpu.memory_space<vmem>> -> memref<26xi32, #tpu.memory_space<vmem>>
      %dma_start3A_486 = arith.constant 0 : i32
      %dma_start3A_487 = arith.constant 0 : i32
      %dma_start3A_488 = tpu.memref_slice %arg3[%dma_start3A_486, %dma_start3A_487] : memref<1000000x128xf32, #tpu.memory_space<hbm>> -> memref<1000000x128xf32, #tpu.memory_space<hbm>>
      tpu.enqueue_indirect_dma source(%dma_start3A_488 : memref<1000000x128xf32, #tpu.memory_space<hbm>>) target(%dma_start3A_482 : memref<26x128xf32, #tpu.memory_space<vmem>>) offsets(%dma_start3A_485 : memref<26xi32, #tpu.memory_space<vmem>>) semaphore(%arg13 : memref<!tpu.dma_semaphore, #tpu.memory_space<semaphore_mem>>)
      %mul3A_489 = arith.constant 8 : i32
      %mul3A_490 = arith.muli %add3A_383, %mul3A_489 : i32
      %add3A_491 = arith.constant 7 : i32
      %add3A_492 = arith.addi %mul3A_490, %add3A_491 : i32
      %dma_start3A_493 = arith.constant 7 : i32
      %dma_start3A_494 = arith.constant 0 : i32
      %dma_start3A_495 = arith.constant 0 : i32
      %dma_start3A_496 = tpu.memref_slice %arg9[%dma_start3A_493, %dma_start3A_494, %dma_start3A_495] : memref<8x26x128xf32, #tpu.memory_space<vmem>> -> memref<1x26x128xf32, #tpu.memory_space<vmem>>
      %dma_start3A_497 = tpu.memref_squeeze %dma_start3A_496 : memref<1x26x128xf32, #tpu.memory_space<vmem>> -> memref<26x128xf32, #tpu.memory_space<vmem>>
      %dma_start3A_498 = arith.constant 0 : i32
      %dma_start3A_499 = tpu.memref_slice %arg5[%add3A_492, %dma_start3A_498] : memref<512x26xi32, #tpu.memory_space<vmem>> -> memref<1x26xi32, #tpu.memory_space<vmem>>
      %dma_start3A_500 = tpu.memref_squeeze %dma_start3A_499 : memref<1x26xi32, #tpu.memory_space<vmem>> -> memref<26xi32, #tpu.memory_space<vmem>>
      %dma_start3A_501 = arith.constant 0 : i32
      %dma_start3A_502 = arith.constant 0 : i32
      %dma_start3A_503 = tpu.memref_slice %arg3[%dma_start3A_501, %dma_start3A_502] : memref<1000000x128xf32, #tpu.memory_space<hbm>> -> memref<1000000x128xf32, #tpu.memory_space<hbm>>
      tpu.enqueue_indirect_dma source(%dma_start3A_503 : memref<1000000x128xf32, #tpu.memory_space<hbm>>) target(%dma_start3A_497 : memref<26x128xf32, #tpu.memory_space<vmem>>) offsets(%dma_start3A_500 : memref<26xi32, #tpu.memory_space<vmem>>) semaphore(%arg13 : memref<!tpu.dma_semaphore, #tpu.memory_space<semaphore_mem>>)
      %mul3A_504 = arith.constant 4 : i32
      %mul3A_505 = arith.muli %scan3A_8, %mul3A_504 : i32
      %add3A_506 = arith.constant 0 : i32
      %add3A_507 = arith.addi %mul3A_505, %add3A_506 : i32
      %mul3A_508 = arith.constant 8 : i32
      %mul3A_509 = arith.muli %add3A_507, %mul3A_508 : i32
      %add3A_510 = arith.constant 0 : i32
      %add3A_511 = arith.addi %mul3A_509, %add3A_510 : i32
      %dma_wait3A = arith.constant 0 : i32
      %dma_wait3A_512 = arith.constant 0 : i32
      %dma_wait3A_513 = arith.constant 0 : i32
      %dma_wait3A_514 = tpu.memref_slice %arg6[%dma_wait3A, %dma_wait3A_512, %dma_wait3A_513] : memref<8x26x128xf32, #tpu.memory_space<vmem>> -> memref<1x26x128xf32, #tpu.memory_space<vmem>>
      %dma_wait3A_515 = tpu.memref_squeeze %dma_wait3A_514 : memref<1x26x128xf32, #tpu.memory_space<vmem>> -> memref<26x128xf32, #tpu.memory_space<vmem>>
      %dma_wait3A_516 = arith.constant 0 : i32
      %dma_wait3A_517 = tpu.memref_slice %arg5[%add3A_511, %dma_wait3A_516] : memref<512x26xi32, #tpu.memory_space<vmem>> -> memref<1x26xi32, #tpu.memory_space<vmem>>
      %dma_wait3A_518 = tpu.memref_squeeze %dma_wait3A_517 : memref<1x26xi32, #tpu.memory_space<vmem>> -> memref<26xi32, #tpu.memory_space<vmem>>
      %dma_wait3A_519 = arith.constant 0 : i32
      %dma_wait3A_520 = arith.constant 0 : i32
      %dma_wait3A_521 = tpu.memref_slice %arg3[%dma_wait3A_519, %dma_wait3A_520] : memref<1000000x128xf32, #tpu.memory_space<hbm>> -> memref<1000000x128xf32, #tpu.memory_space<hbm>>
      tpu.wait_indirect_dma semaphore(%arg10 : memref<!tpu.dma_semaphore, #tpu.memory_space<semaphore_mem>>) src(%dma_wait3A_521 : memref<1000000x128xf32, #tpu.memory_space<hbm>>) dst(%dma_wait3A_515 : memref<26x128xf32, #tpu.memory_space<vmem>>)
      %mul3A_522 = arith.constant 8 : i32
      %mul3A_523 = arith.muli %add3A_507, %mul3A_522 : i32
      %add3A_524 = arith.constant 1 : i32
      %add3A_525 = arith.addi %mul3A_523, %add3A_524 : i32
      %dma_wait3A_526 = arith.constant 1 : i32
      %dma_wait3A_527 = arith.constant 0 : i32
      %dma_wait3A_528 = arith.constant 0 : i32
      %dma_wait3A_529 = tpu.memref_slice %arg6[%dma_wait3A_526, %dma_wait3A_527, %dma_wait3A_528] : memref<8x26x128xf32, #tpu.memory_space<vmem>> -> memref<1x26x128xf32, #tpu.memory_space<vmem>>
      %dma_wait3A_530 = tpu.memref_squeeze %dma_wait3A_529 : memref<1x26x128xf32, #tpu.memory_space<vmem>> -> memref<26x128xf32, #tpu.memory_space<vmem>>
      %dma_wait3A_531 = arith.constant 0 : i32
      %dma_wait3A_532 = tpu.memref_slice %arg5[%add3A_525, %dma_wait3A_531] : memref<512x26xi32, #tpu.memory_space<vmem>> -> memref<1x26xi32, #tpu.memory_space<vmem>>
      %dma_wait3A_533 = tpu.memref_squeeze %dma_wait3A_532 : memref<1x26xi32, #tpu.memory_space<vmem>> -> memref<26xi32, #tpu.memory_space<vmem>>
      %dma_wait3A_534 = arith.constant 0 : i32
      %dma_wait3A_535 = arith.constant 0 : i32
      %dma_wait3A_536 = tpu.memref_slice %arg3[%dma_wait3A_534, %dma_wait3A_535] : memref<1000000x128xf32, #tpu.memory_space<hbm>> -> memref<1000000x128xf32, #tpu.memory_space<hbm>>
      tpu.wait_indirect_dma semaphore(%arg10 : memref<!tpu.dma_semaphore, #tpu.memory_space<semaphore_mem>>) src(%dma_wait3A_536 : memref<1000000x128xf32, #tpu.memory_space<hbm>>) dst(%dma_wait3A_530 : memref<26x128xf32, #tpu.memory_space<vmem>>)
      %mul3A_537 = arith.constant 8 : i32
      %mul3A_538 = arith.muli %add3A_507, %mul3A_537 : i32
      %add3A_539 = arith.constant 2 : i32
      %add3A_540 = arith.addi %mul3A_538, %add3A_539 : i32
      %dma_wait3A_541 = arith.constant 2 : i32
      %dma_wait3A_542 = arith.constant 0 : i32
      %dma_wait3A_543 = arith.constant 0 : i32
      %dma_wait3A_544 = tpu.memref_slice %arg6[%dma_wait3A_541, %dma_wait3A_542, %dma_wait3A_543] : memref<8x26x128xf32, #tpu.memory_space<vmem>> -> memref<1x26x128xf32, #tpu.memory_space<vmem>>
      %dma_wait3A_545 = tpu.memref_squeeze %dma_wait3A_544 : memref<1x26x128xf32, #tpu.memory_space<vmem>> -> memref<26x128xf32, #tpu.memory_space<vmem>>
      %dma_wait3A_546 = arith.constant 0 : i32
      %dma_wait3A_547 = tpu.memref_slice %arg5[%add3A_540, %dma_wait3A_546] : memref<512x26xi32, #tpu.memory_space<vmem>> -> memref<1x26xi32, #tpu.memory_space<vmem>>
      %dma_wait3A_548 = tpu.memref_squeeze %dma_wait3A_547 : memref<1x26xi32, #tpu.memory_space<vmem>> -> memref<26xi32, #tpu.memory_space<vmem>>
      %dma_wait3A_549 = arith.constant 0 : i32
      %dma_wait3A_550 = arith.constant 0 : i32
      %dma_wait3A_551 = tpu.memref_slice %arg3[%dma_wait3A_549, %dma_wait3A_550] : memref<1000000x128xf32, #tpu.memory_space<hbm>> -> memref<1000000x128xf32, #tpu.memory_space<hbm>>
      tpu.wait_indirect_dma semaphore(%arg10 : memref<!tpu.dma_semaphore, #tpu.memory_space<semaphore_mem>>) src(%dma_wait3A_551 : memref<1000000x128xf32, #tpu.memory_space<hbm>>) dst(%dma_wait3A_545 : memref<26x128xf32, #tpu.memory_space<vmem>>)
      %mul3A_552 = arith.constant 8 : i32
      %mul3A_553 = arith.muli %add3A_507, %mul3A_552 : i32
      %add3A_554 = arith.constant 3 : i32
      %add3A_555 = arith.addi %mul3A_553, %add3A_554 : i32
      %dma_wait3A_556 = arith.constant 3 : i32
      %dma_wait3A_557 = arith.constant 0 : i32
      %dma_wait3A_558 = arith.constant 0 : i32
      %dma_wait3A_559 = tpu.memref_slice %arg6[%dma_wait3A_556, %dma_wait3A_557, %dma_wait3A_558] : memref<8x26x128xf32, #tpu.memory_space<vmem>> -> memref<1x26x128xf32, #tpu.memory_space<vmem>>
      %dma_wait3A_560 = tpu.memref_squeeze %dma_wait3A_559 : memref<1x26x128xf32, #tpu.memory_space<vmem>> -> memref<26x128xf32, #tpu.memory_space<vmem>>
      %dma_wait3A_561 = arith.constant 0 : i32
      %dma_wait3A_562 = tpu.memref_slice %arg5[%add3A_555, %dma_wait3A_561] : memref<512x26xi32, #tpu.memory_space<vmem>> -> memref<1x26xi32, #tpu.memory_space<vmem>>
      %dma_wait3A_563 = tpu.memref_squeeze %dma_wait3A_562 : memref<1x26xi32, #tpu.memory_space<vmem>> -> memref<26xi32, #tpu.memory_space<vmem>>
      %dma_wait3A_564 = arith.constant 0 : i32
      %dma_wait3A_565 = arith.constant 0 : i32
      %dma_wait3A_566 = tpu.memref_slice %arg3[%dma_wait3A_564, %dma_wait3A_565] : memref<1000000x128xf32, #tpu.memory_space<hbm>> -> memref<1000000x128xf32, #tpu.memory_space<hbm>>
      tpu.wait_indirect_dma semaphore(%arg10 : memref<!tpu.dma_semaphore, #tpu.memory_space<semaphore_mem>>) src(%dma_wait3A_566 : memref<1000000x128xf32, #tpu.memory_space<hbm>>) dst(%dma_wait3A_560 : memref<26x128xf32, #tpu.memory_space<vmem>>)
      %mul3A_567 = arith.constant 8 : i32
      %mul3A_568 = arith.muli %add3A_507, %mul3A_567 : i32
      %add3A_569 = arith.constant 4 : i32
      %add3A_570 = arith.addi %mul3A_568, %add3A_569 : i32
      %dma_wait3A_571 = arith.constant 4 : i32
      %dma_wait3A_572 = arith.constant 0 : i32
      %dma_wait3A_573 = arith.constant 0 : i32
      %dma_wait3A_574 = tpu.memref_slice %arg6[%dma_wait3A_571, %dma_wait3A_572, %dma_wait3A_573] : memref<8x26x128xf32, #tpu.memory_space<vmem>> -> memref<1x26x128xf32, #tpu.memory_space<vmem>>
      %dma_wait3A_575 = tpu.memref_squeeze %dma_wait3A_574 : memref<1x26x128xf32, #tpu.memory_space<vmem>> -> memref<26x128xf32, #tpu.memory_space<vmem>>
      %dma_wait3A_576 = arith.constant 0 : i32
      %dma_wait3A_577 = tpu.memref_slice %arg5[%add3A_570, %dma_wait3A_576] : memref<512x26xi32, #tpu.memory_space<vmem>> -> memref<1x26xi32, #tpu.memory_space<vmem>>
      %dma_wait3A_578 = tpu.memref_squeeze %dma_wait3A_577 : memref<1x26xi32, #tpu.memory_space<vmem>> -> memref<26xi32, #tpu.memory_space<vmem>>
      %dma_wait3A_579 = arith.constant 0 : i32
      %dma_wait3A_580 = arith.constant 0 : i32
      %dma_wait3A_581 = tpu.memref_slice %arg3[%dma_wait3A_579, %dma_wait3A_580] : memref<1000000x128xf32, #tpu.memory_space<hbm>> -> memref<1000000x128xf32, #tpu.memory_space<hbm>>
      tpu.wait_indirect_dma semaphore(%arg10 : memref<!tpu.dma_semaphore, #tpu.memory_space<semaphore_mem>>) src(%dma_wait3A_581 : memref<1000000x128xf32, #tpu.memory_space<hbm>>) dst(%dma_wait3A_575 : memref<26x128xf32, #tpu.memory_space<vmem>>)
      %mul3A_582 = arith.constant 8 : i32
      %mul3A_583 = arith.muli %add3A_507, %mul3A_582 : i32
      %add3A_584 = arith.constant 5 : i32
      %add3A_585 = arith.addi %mul3A_583, %add3A_584 : i32
      %dma_wait3A_586 = arith.constant 5 : i32
      %dma_wait3A_587 = arith.constant 0 : i32
      %dma_wait3A_588 = arith.constant 0 : i32
      %dma_wait3A_589 = tpu.memref_slice %arg6[%dma_wait3A_586, %dma_wait3A_587, %dma_wait3A_588] : memref<8x26x128xf32, #tpu.memory_space<vmem>> -> memref<1x26x128xf32, #tpu.memory_space<vmem>>
      %dma_wait3A_590 = tpu.memref_squeeze %dma_wait3A_589 : memref<1x26x128xf32, #tpu.memory_space<vmem>> -> memref<26x128xf32, #tpu.memory_space<vmem>>
      %dma_wait3A_591 = arith.constant 0 : i32
      %dma_wait3A_592 = tpu.memref_slice %arg5[%add3A_585, %dma_wait3A_591] : memref<512x26xi32, #tpu.memory_space<vmem>> -> memref<1x26xi32, #tpu.memory_space<vmem>>
      %dma_wait3A_593 = tpu.memref_squeeze %dma_wait3A_592 : memref<1x26xi32, #tpu.memory_space<vmem>> -> memref<26xi32, #tpu.memory_space<vmem>>
      %dma_wait3A_594 = arith.constant 0 : i32
      %dma_wait3A_595 = arith.constant 0 : i32
      %dma_wait3A_596 = tpu.memref_slice %arg3[%dma_wait3A_594, %dma_wait3A_595] : memref<1000000x128xf32, #tpu.memory_space<hbm>> -> memref<1000000x128xf32, #tpu.memory_space<hbm>>
      tpu.wait_indirect_dma semaphore(%arg10 : memref<!tpu.dma_semaphore, #tpu.memory_space<semaphore_mem>>) src(%dma_wait3A_596 : memref<1000000x128xf32, #tpu.memory_space<hbm>>) dst(%dma_wait3A_590 : memref<26x128xf32, #tpu.memory_space<vmem>>)
      %mul3A_597 = arith.constant 8 : i32
      %mul3A_598 = arith.muli %add3A_507, %mul3A_597 : i32
      %add3A_599 = arith.constant 6 : i32
      %add3A_600 = arith.addi %mul3A_598, %add3A_599 : i32
      %dma_wait3A_601 = arith.constant 6 : i32
      %dma_wait3A_602 = arith.constant 0 : i32
      %dma_wait3A_603 = arith.constant 0 : i32
      %dma_wait3A_604 = tpu.memref_slice %arg6[%dma_wait3A_601, %dma_wait3A_602, %dma_wait3A_603] : memref<8x26x128xf32, #tpu.memory_space<vmem>> -> memref<1x26x128xf32, #tpu.memory_space<vmem>>
      %dma_wait3A_605 = tpu.memref_squeeze %dma_wait3A_604 : memref<1x26x128xf32, #tpu.memory_space<vmem>> -> memref<26x128xf32, #tpu.memory_space<vmem>>
      %dma_wait3A_606 = arith.constant 0 : i32
      %dma_wait3A_607 = tpu.memref_slice %arg5[%add3A_600, %dma_wait3A_606] : memref<512x26xi32, #tpu.memory_space<vmem>> -> memref<1x26xi32, #tpu.memory_space<vmem>>
      %dma_wait3A_608 = tpu.memref_squeeze %dma_wait3A_607 : memref<1x26xi32, #tpu.memory_space<vmem>> -> memref<26xi32, #tpu.memory_space<vmem>>
      %dma_wait3A_609 = arith.constant 0 : i32
      %dma_wait3A_610 = arith.constant 0 : i32
      %dma_wait3A_611 = tpu.memref_slice %arg3[%dma_wait3A_609, %dma_wait3A_610] : memref<1000000x128xf32, #tpu.memory_space<hbm>> -> memref<1000000x128xf32, #tpu.memory_space<hbm>>
      tpu.wait_indirect_dma semaphore(%arg10 : memref<!tpu.dma_semaphore, #tpu.memory_space<semaphore_mem>>) src(%dma_wait3A_611 : memref<1000000x128xf32, #tpu.memory_space<hbm>>) dst(%dma_wait3A_605 : memref<26x128xf32, #tpu.memory_space<vmem>>)
      %mul3A_612 = arith.constant 8 : i32
      %mul3A_613 = arith.muli %add3A_507, %mul3A_612 : i32
      %add3A_614 = arith.constant 7 : i32
      %add3A_615 = arith.addi %mul3A_613, %add3A_614 : i32
      %dma_wait3A_616 = arith.constant 7 : i32
      %dma_wait3A_617 = arith.constant 0 : i32
      %dma_wait3A_618 = arith.constant 0 : i32
      %dma_wait3A_619 = tpu.memref_slice %arg6[%dma_wait3A_616, %dma_wait3A_617, %dma_wait3A_618] : memref<8x26x128xf32, #tpu.memory_space<vmem>> -> memref<1x26x128xf32, #tpu.memory_space<vmem>>
      %dma_wait3A_620 = tpu.memref_squeeze %dma_wait3A_619 : memref<1x26x128xf32, #tpu.memory_space<vmem>> -> memref<26x128xf32, #tpu.memory_space<vmem>>
      %dma_wait3A_621 = arith.constant 0 : i32
      %dma_wait3A_622 = tpu.memref_slice %arg5[%add3A_615, %dma_wait3A_621] : memref<512x26xi32, #tpu.memory_space<vmem>> -> memref<1x26xi32, #tpu.memory_space<vmem>>
      %dma_wait3A_623 = tpu.memref_squeeze %dma_wait3A_622 : memref<1x26xi32, #tpu.memory_space<vmem>> -> memref<26xi32, #tpu.memory_space<vmem>>
      %dma_wait3A_624 = arith.constant 0 : i32
      %dma_wait3A_625 = arith.constant 0 : i32
      %dma_wait3A_626 = tpu.memref_slice %arg3[%dma_wait3A_624, %dma_wait3A_625] : memref<1000000x128xf32, #tpu.memory_space<hbm>> -> memref<1000000x128xf32, #tpu.memory_space<hbm>>
      tpu.wait_indirect_dma semaphore(%arg10 : memref<!tpu.dma_semaphore, #tpu.memory_space<semaphore_mem>>) src(%dma_wait3A_626 : memref<1000000x128xf32, #tpu.memory_space<hbm>>) dst(%dma_wait3A_620 : memref<26x128xf32, #tpu.memory_space<vmem>>)
      %mul3A_627 = arith.constant 8 : i32
      %mul3A_628 = arith.muli %add3A_507, %mul3A_627 : i32
      %add3A_629 = arith.addi %mul3A_2, %mul3A_628 : i32
      %dma_start3A_630 = arith.constant 0 : i32
      %dma_start3A_631 = arith.constant 0 : i32
      %dma_start3A_632 = arith.constant 0 : i32
      %dma_start3A_633 = tpu.memref_slice %arg6[%dma_start3A_630, %dma_start3A_631, %dma_start3A_632] : memref<8x26x128xf32, #tpu.memory_space<vmem>> -> memref<8x26x64xf32, #tpu.memory_space<vmem>>
      %dma_start3A_634 = arith.constant 0 : i32
      %dma_start3A_635 = arith.constant 0 : i32
      %dma_start3A_636 = tpu.memref_slice %arg4[%add3A_629, %dma_start3A_634, %dma_start3A_635] : memref<16384x26x64xf32, #tpu.memory_space<hbm>> -> memref<8x26x64xf32, #tpu.memory_space<hbm>>
      %dma_start3A_637 = arith.constant 0 : i32
      %dma_start3A_638 = arith.constant 0 : i32
      %dma_start3A_639 = tpu.memref_slice %arg4[%add3A_629, %dma_start3A_637, %dma_start3A_638] : memref<16384x26x64xf32, #tpu.memory_space<hbm>> -> memref<8x26x64xf32, #tpu.memory_space<hbm>>
      %dma_start3A_640 = arith.constant 0 : i32
      %dma_start3A_641 = arith.constant 0 : i32
      %dma_start3A_642 = arith.constant 0 : i32
      %dma_start3A_643 = tpu.memref_slice %arg6[%dma_start3A_640, %dma_start3A_641, %dma_start3A_642] : memref<8x26x128xf32, #tpu.memory_space<vmem>> -> memref<8x26x64xf32, #tpu.memory_space<vmem>>
      tpu.enqueue_dma source(%dma_start3A_643 : memref<8x26x64xf32, #tpu.memory_space<vmem>>) target(%dma_start3A_639 : memref<8x26x64xf32, #tpu.memory_space<hbm>>) target_semaphore(%arg14 : memref<!tpu.dma_semaphore, #tpu.memory_space<semaphore_mem>>)
      %mul3A_644 = arith.constant 4 : i32
      %mul3A_645 = arith.muli %scan3A_8, %mul3A_644 : i32
      %add3A_646 = arith.constant 1 : i32
      %add3A_647 = arith.addi %mul3A_645, %add3A_646 : i32
      %mul3A_648 = arith.constant 8 : i32
      %mul3A_649 = arith.muli %add3A_647, %mul3A_648 : i32
      %add3A_650 = arith.constant 0 : i32
      %add3A_651 = arith.addi %mul3A_649, %add3A_650 : i32
      %dma_wait3A_652 = arith.constant 0 : i32
      %dma_wait3A_653 = arith.constant 0 : i32
      %dma_wait3A_654 = arith.constant 0 : i32
      %dma_wait3A_655 = tpu.memref_slice %arg7[%dma_wait3A_652, %dma_wait3A_653, %dma_wait3A_654] : memref<8x26x128xf32, #tpu.memory_space<vmem>> -> memref<1x26x128xf32, #tpu.memory_space<vmem>>
      %dma_wait3A_656 = tpu.memref_squeeze %dma_wait3A_655 : memref<1x26x128xf32, #tpu.memory_space<vmem>> -> memref<26x128xf32, #tpu.memory_space<vmem>>
      %dma_wait3A_657 = arith.constant 0 : i32
      %dma_wait3A_658 = tpu.memref_slice %arg5[%add3A_651, %dma_wait3A_657] : memref<512x26xi32, #tpu.memory_space<vmem>> -> memref<1x26xi32, #tpu.memory_space<vmem>>
      %dma_wait3A_659 = tpu.memref_squeeze %dma_wait3A_658 : memref<1x26xi32, #tpu.memory_space<vmem>> -> memref<26xi32, #tpu.memory_space<vmem>>
      %dma_wait3A_660 = arith.constant 0 : i32
      %dma_wait3A_661 = arith.constant 0 : i32
      %dma_wait3A_662 = tpu.memref_slice %arg3[%dma_wait3A_660, %dma_wait3A_661] : memref<1000000x128xf32, #tpu.memory_space<hbm>> -> memref<1000000x128xf32, #tpu.memory_space<hbm>>
      tpu.wait_indirect_dma semaphore(%arg11 : memref<!tpu.dma_semaphore, #tpu.memory_space<semaphore_mem>>) src(%dma_wait3A_662 : memref<1000000x128xf32, #tpu.memory_space<hbm>>) dst(%dma_wait3A_656 : memref<26x128xf32, #tpu.memory_space<vmem>>)
      %mul3A_663 = arith.constant 8 : i32
      %mul3A_664 = arith.muli %add3A_647, %mul3A_663 : i32
      %add3A_665 = arith.constant 1 : i32
      %add3A_666 = arith.addi %mul3A_664, %add3A_665 : i32
      %dma_wait3A_667 = arith.constant 1 : i32
      %dma_wait3A_668 = arith.constant 0 : i32
      %dma_wait3A_669 = arith.constant 0 : i32
      %dma_wait3A_670 = tpu.memref_slice %arg7[%dma_wait3A_667, %dma_wait3A_668, %dma_wait3A_669] : memref<8x26x128xf32, #tpu.memory_space<vmem>> -> memref<1x26x128xf32, #tpu.memory_space<vmem>>
      %dma_wait3A_671 = tpu.memref_squeeze %dma_wait3A_670 : memref<1x26x128xf32, #tpu.memory_space<vmem>> -> memref<26x128xf32, #tpu.memory_space<vmem>>
      %dma_wait3A_672 = arith.constant 0 : i32
      %dma_wait3A_673 = tpu.memref_slice %arg5[%add3A_666, %dma_wait3A_672] : memref<512x26xi32, #tpu.memory_space<vmem>> -> memref<1x26xi32, #tpu.memory_space<vmem>>
      %dma_wait3A_674 = tpu.memref_squeeze %dma_wait3A_673 : memref<1x26xi32, #tpu.memory_space<vmem>> -> memref<26xi32, #tpu.memory_space<vmem>>
      %dma_wait3A_675 = arith.constant 0 : i32
      %dma_wait3A_676 = arith.constant 0 : i32
      %dma_wait3A_677 = tpu.memref_slice %arg3[%dma_wait3A_675, %dma_wait3A_676] : memref<1000000x128xf32, #tpu.memory_space<hbm>> -> memref<1000000x128xf32, #tpu.memory_space<hbm>>
      tpu.wait_indirect_dma semaphore(%arg11 : memref<!tpu.dma_semaphore, #tpu.memory_space<semaphore_mem>>) src(%dma_wait3A_677 : memref<1000000x128xf32, #tpu.memory_space<hbm>>) dst(%dma_wait3A_671 : memref<26x128xf32, #tpu.memory_space<vmem>>)
      %mul3A_678 = arith.constant 8 : i32
      %mul3A_679 = arith.muli %add3A_647, %mul3A_678 : i32
      %add3A_680 = arith.constant 2 : i32
      %add3A_681 = arith.addi %mul3A_679, %add3A_680 : i32
      %dma_wait3A_682 = arith.constant 2 : i32
      %dma_wait3A_683 = arith.constant 0 : i32
      %dma_wait3A_684 = arith.constant 0 : i32
      %dma_wait3A_685 = tpu.memref_slice %arg7[%dma_wait3A_682, %dma_wait3A_683, %dma_wait3A_684] : memref<8x26x128xf32, #tpu.memory_space<vmem>> -> memref<1x26x128xf32, #tpu.memory_space<vmem>>
      %dma_wait3A_686 = tpu.memref_squeeze %dma_wait3A_685 : memref<1x26x128xf32, #tpu.memory_space<vmem>> -> memref<26x128xf32, #tpu.memory_space<vmem>>
      %dma_wait3A_687 = arith.constant 0 : i32
      %dma_wait3A_688 = tpu.memref_slice %arg5[%add3A_681, %dma_wait3A_687] : memref<512x26xi32, #tpu.memory_space<vmem>> -> memref<1x26xi32, #tpu.memory_space<vmem>>
      %dma_wait3A_689 = tpu.memref_squeeze %dma_wait3A_688 : memref<1x26xi32, #tpu.memory_space<vmem>> -> memref<26xi32, #tpu.memory_space<vmem>>
      %dma_wait3A_690 = arith.constant 0 : i32
      %dma_wait3A_691 = arith.constant 0 : i32
      %dma_wait3A_692 = tpu.memref_slice %arg3[%dma_wait3A_690, %dma_wait3A_691] : memref<1000000x128xf32, #tpu.memory_space<hbm>> -> memref<1000000x128xf32, #tpu.memory_space<hbm>>
      tpu.wait_indirect_dma semaphore(%arg11 : memref<!tpu.dma_semaphore, #tpu.memory_space<semaphore_mem>>) src(%dma_wait3A_692 : memref<1000000x128xf32, #tpu.memory_space<hbm>>) dst(%dma_wait3A_686 : memref<26x128xf32, #tpu.memory_space<vmem>>)
      %mul3A_693 = arith.constant 8 : i32
      %mul3A_694 = arith.muli %add3A_647, %mul3A_693 : i32
      %add3A_695 = arith.constant 3 : i32
      %add3A_696 = arith.addi %mul3A_694, %add3A_695 : i32
      %dma_wait3A_697 = arith.constant 3 : i32
      %dma_wait3A_698 = arith.constant 0 : i32
      %dma_wait3A_699 = arith.constant 0 : i32
      %dma_wait3A_700 = tpu.memref_slice %arg7[%dma_wait3A_697, %dma_wait3A_698, %dma_wait3A_699] : memref<8x26x128xf32, #tpu.memory_space<vmem>> -> memref<1x26x128xf32, #tpu.memory_space<vmem>>
      %dma_wait3A_701 = tpu.memref_squeeze %dma_wait3A_700 : memref<1x26x128xf32, #tpu.memory_space<vmem>> -> memref<26x128xf32, #tpu.memory_space<vmem>>
      %dma_wait3A_702 = arith.constant 0 : i32
      %dma_wait3A_703 = tpu.memref_slice %arg5[%add3A_696, %dma_wait3A_702] : memref<512x26xi32, #tpu.memory_space<vmem>> -> memref<1x26xi32, #tpu.memory_space<vmem>>
      %dma_wait3A_704 = tpu.memref_squeeze %dma_wait3A_703 : memref<1x26xi32, #tpu.memory_space<vmem>> -> memref<26xi32, #tpu.memory_space<vmem>>
      %dma_wait3A_705 = arith.constant 0 : i32
      %dma_wait3A_706 = arith.constant 0 : i32
      %dma_wait3A_707 = tpu.memref_slice %arg3[%dma_wait3A_705, %dma_wait3A_706] : memref<1000000x128xf32, #tpu.memory_space<hbm>> -> memref<1000000x128xf32, #tpu.memory_space<hbm>>
      tpu.wait_indirect_dma semaphore(%arg11 : memref<!tpu.dma_semaphore, #tpu.memory_space<semaphore_mem>>) src(%dma_wait3A_707 : memref<1000000x128xf32, #tpu.memory_space<hbm>>) dst(%dma_wait3A_701 : memref<26x128xf32, #tpu.memory_space<vmem>>)
      %mul3A_708 = arith.constant 8 : i32
      %mul3A_709 = arith.muli %add3A_647, %mul3A_708 : i32
      %add3A_710 = arith.constant 4 : i32
      %add3A_711 = arith.addi %mul3A_709, %add3A_710 : i32
      %dma_wait3A_712 = arith.constant 4 : i32
      %dma_wait3A_713 = arith.constant 0 : i32
      %dma_wait3A_714 = arith.constant 0 : i32
      %dma_wait3A_715 = tpu.memref_slice %arg7[%dma_wait3A_712, %dma_wait3A_713, %dma_wait3A_714] : memref<8x26x128xf32, #tpu.memory_space<vmem>> -> memref<1x26x128xf32, #tpu.memory_space<vmem>>
      %dma_wait3A_716 = tpu.memref_squeeze %dma_wait3A_715 : memref<1x26x128xf32, #tpu.memory_space<vmem>> -> memref<26x128xf32, #tpu.memory_space<vmem>>
      %dma_wait3A_717 = arith.constant 0 : i32
      %dma_wait3A_718 = tpu.memref_slice %arg5[%add3A_711, %dma_wait3A_717] : memref<512x26xi32, #tpu.memory_space<vmem>> -> memref<1x26xi32, #tpu.memory_space<vmem>>
      %dma_wait3A_719 = tpu.memref_squeeze %dma_wait3A_718 : memref<1x26xi32, #tpu.memory_space<vmem>> -> memref<26xi32, #tpu.memory_space<vmem>>
      %dma_wait3A_720 = arith.constant 0 : i32
      %dma_wait3A_721 = arith.constant 0 : i32
      %dma_wait3A_722 = tpu.memref_slice %arg3[%dma_wait3A_720, %dma_wait3A_721] : memref<1000000x128xf32, #tpu.memory_space<hbm>> -> memref<1000000x128xf32, #tpu.memory_space<hbm>>
      tpu.wait_indirect_dma semaphore(%arg11 : memref<!tpu.dma_semaphore, #tpu.memory_space<semaphore_mem>>) src(%dma_wait3A_722 : memref<1000000x128xf32, #tpu.memory_space<hbm>>) dst(%dma_wait3A_716 : memref<26x128xf32, #tpu.memory_space<vmem>>)
      %mul3A_723 = arith.constant 8 : i32
      %mul3A_724 = arith.muli %add3A_647, %mul3A_723 : i32
      %add3A_725 = arith.constant 5 : i32
      %add3A_726 = arith.addi %mul3A_724, %add3A_725 : i32
      %dma_wait3A_727 = arith.constant 5 : i32
      %dma_wait3A_728 = arith.constant 0 : i32
      %dma_wait3A_729 = arith.constant 0 : i32
      %dma_wait3A_730 = tpu.memref_slice %arg7[%dma_wait3A_727, %dma_wait3A_728, %dma_wait3A_729] : memref<8x26x128xf32, #tpu.memory_space<vmem>> -> memref<1x26x128xf32, #tpu.memory_space<vmem>>
      %dma_wait3A_731 = tpu.memref_squeeze %dma_wait3A_730 : memref<1x26x128xf32, #tpu.memory_space<vmem>> -> memref<26x128xf32, #tpu.memory_space<vmem>>
      %dma_wait3A_732 = arith.constant 0 : i32
      %dma_wait3A_733 = tpu.memref_slice %arg5[%add3A_726, %dma_wait3A_732] : memref<512x26xi32, #tpu.memory_space<vmem>> -> memref<1x26xi32, #tpu.memory_space<vmem>>
      %dma_wait3A_734 = tpu.memref_squeeze %dma_wait3A_733 : memref<1x26xi32, #tpu.memory_space<vmem>> -> memref<26xi32, #tpu.memory_space<vmem>>
      %dma_wait3A_735 = arith.constant 0 : i32
      %dma_wait3A_736 = arith.constant 0 : i32
      %dma_wait3A_737 = tpu.memref_slice %arg3[%dma_wait3A_735, %dma_wait3A_736] : memref<1000000x128xf32, #tpu.memory_space<hbm>> -> memref<1000000x128xf32, #tpu.memory_space<hbm>>
      tpu.wait_indirect_dma semaphore(%arg11 : memref<!tpu.dma_semaphore, #tpu.memory_space<semaphore_mem>>) src(%dma_wait3A_737 : memref<1000000x128xf32, #tpu.memory_space<hbm>>) dst(%dma_wait3A_731 : memref<26x128xf32, #tpu.memory_space<vmem>>)
      %mul3A_738 = arith.constant 8 : i32
      %mul3A_739 = arith.muli %add3A_647, %mul3A_738 : i32
      %add3A_740 = arith.constant 6 : i32
      %add3A_741 = arith.addi %mul3A_739, %add3A_740 : i32
      %dma_wait3A_742 = arith.constant 6 : i32
      %dma_wait3A_743 = arith.constant 0 : i32
      %dma_wait3A_744 = arith.constant 0 : i32
      %dma_wait3A_745 = tpu.memref_slice %arg7[%dma_wait3A_742, %dma_wait3A_743, %dma_wait3A_744] : memref<8x26x128xf32, #tpu.memory_space<vmem>> -> memref<1x26x128xf32, #tpu.memory_space<vmem>>
      %dma_wait3A_746 = tpu.memref_squeeze %dma_wait3A_745 : memref<1x26x128xf32, #tpu.memory_space<vmem>> -> memref<26x128xf32, #tpu.memory_space<vmem>>
      %dma_wait3A_747 = arith.constant 0 : i32
      %dma_wait3A_748 = tpu.memref_slice %arg5[%add3A_741, %dma_wait3A_747] : memref<512x26xi32, #tpu.memory_space<vmem>> -> memref<1x26xi32, #tpu.memory_space<vmem>>
      %dma_wait3A_749 = tpu.memref_squeeze %dma_wait3A_748 : memref<1x26xi32, #tpu.memory_space<vmem>> -> memref<26xi32, #tpu.memory_space<vmem>>
      %dma_wait3A_750 = arith.constant 0 : i32
      %dma_wait3A_751 = arith.constant 0 : i32
      %dma_wait3A_752 = tpu.memref_slice %arg3[%dma_wait3A_750, %dma_wait3A_751] : memref<1000000x128xf32, #tpu.memory_space<hbm>> -> memref<1000000x128xf32, #tpu.memory_space<hbm>>
      tpu.wait_indirect_dma semaphore(%arg11 : memref<!tpu.dma_semaphore, #tpu.memory_space<semaphore_mem>>) src(%dma_wait3A_752 : memref<1000000x128xf32, #tpu.memory_space<hbm>>) dst(%dma_wait3A_746 : memref<26x128xf32, #tpu.memory_space<vmem>>)
      %mul3A_753 = arith.constant 8 : i32
      %mul3A_754 = arith.muli %add3A_647, %mul3A_753 : i32
      %add3A_755 = arith.constant 7 : i32
      %add3A_756 = arith.addi %mul3A_754, %add3A_755 : i32
      %dma_wait3A_757 = arith.constant 7 : i32
      %dma_wait3A_758 = arith.constant 0 : i32
      %dma_wait3A_759 = arith.constant 0 : i32
      %dma_wait3A_760 = tpu.memref_slice %arg7[%dma_wait3A_757, %dma_wait3A_758, %dma_wait3A_759] : memref<8x26x128xf32, #tpu.memory_space<vmem>> -> memref<1x26x128xf32, #tpu.memory_space<vmem>>
      %dma_wait3A_761 = tpu.memref_squeeze %dma_wait3A_760 : memref<1x26x128xf32, #tpu.memory_space<vmem>> -> memref<26x128xf32, #tpu.memory_space<vmem>>
      %dma_wait3A_762 = arith.constant 0 : i32
      %dma_wait3A_763 = tpu.memref_slice %arg5[%add3A_756, %dma_wait3A_762] : memref<512x26xi32, #tpu.memory_space<vmem>> -> memref<1x26xi32, #tpu.memory_space<vmem>>
      %dma_wait3A_764 = tpu.memref_squeeze %dma_wait3A_763 : memref<1x26xi32, #tpu.memory_space<vmem>> -> memref<26xi32, #tpu.memory_space<vmem>>
      %dma_wait3A_765 = arith.constant 0 : i32
      %dma_wait3A_766 = arith.constant 0 : i32
      %dma_wait3A_767 = tpu.memref_slice %arg3[%dma_wait3A_765, %dma_wait3A_766] : memref<1000000x128xf32, #tpu.memory_space<hbm>> -> memref<1000000x128xf32, #tpu.memory_space<hbm>>
      tpu.wait_indirect_dma semaphore(%arg11 : memref<!tpu.dma_semaphore, #tpu.memory_space<semaphore_mem>>) src(%dma_wait3A_767 : memref<1000000x128xf32, #tpu.memory_space<hbm>>) dst(%dma_wait3A_761 : memref<26x128xf32, #tpu.memory_space<vmem>>)
      %mul3A_768 = arith.constant 8 : i32
      %mul3A_769 = arith.muli %add3A_647, %mul3A_768 : i32
      %add3A_770 = arith.addi %mul3A_2, %mul3A_769 : i32
      %dma_start3A_771 = arith.constant 0 : i32
      %dma_start3A_772 = arith.constant 0 : i32
      %dma_start3A_773 = arith.constant 0 : i32
      %dma_start3A_774 = tpu.memref_slice %arg7[%dma_start3A_771, %dma_start3A_772, %dma_start3A_773] : memref<8x26x128xf32, #tpu.memory_space<vmem>> -> memref<8x26x64xf32, #tpu.memory_space<vmem>>
      %dma_start3A_775 = arith.constant 0 : i32
      %dma_start3A_776 = arith.constant 0 : i32
      %dma_start3A_777 = tpu.memref_slice %arg4[%add3A_770, %dma_start3A_775, %dma_start3A_776] : memref<16384x26x64xf32, #tpu.memory_space<hbm>> -> memref<8x26x64xf32, #tpu.memory_space<hbm>>
      %dma_start3A_778 = arith.constant 0 : i32
      %dma_start3A_779 = arith.constant 0 : i32
      %dma_start3A_780 = tpu.memref_slice %arg4[%add3A_770, %dma_start3A_778, %dma_start3A_779] : memref<16384x26x64xf32, #tpu.memory_space<hbm>> -> memref<8x26x64xf32, #tpu.memory_space<hbm>>
      %dma_start3A_781 = arith.constant 0 : i32
      %dma_start3A_782 = arith.constant 0 : i32
      %dma_start3A_783 = arith.constant 0 : i32
      %dma_start3A_784 = tpu.memref_slice %arg7[%dma_start3A_781, %dma_start3A_782, %dma_start3A_783] : memref<8x26x128xf32, #tpu.memory_space<vmem>> -> memref<8x26x64xf32, #tpu.memory_space<vmem>>
      tpu.enqueue_dma source(%dma_start3A_784 : memref<8x26x64xf32, #tpu.memory_space<vmem>>) target(%dma_start3A_780 : memref<8x26x64xf32, #tpu.memory_space<hbm>>) target_semaphore(%arg15 : memref<!tpu.dma_semaphore, #tpu.memory_space<semaphore_mem>>)
      %mul3A_785 = arith.constant 4 : i32
      %mul3A_786 = arith.muli %scan3A_8, %mul3A_785 : i32
      %add3A_787 = arith.constant 2 : i32
      %add3A_788 = arith.addi %mul3A_786, %add3A_787 : i32
      %mul3A_789 = arith.constant 8 : i32
      %mul3A_790 = arith.muli %add3A_788, %mul3A_789 : i32
      %add3A_791 = arith.constant 0 : i32
      %add3A_792 = arith.addi %mul3A_790, %add3A_791 : i32
      %dma_wait3A_793 = arith.constant 0 : i32
      %dma_wait3A_794 = arith.constant 0 : i32
      %dma_wait3A_795 = arith.constant 0 : i32
      %dma_wait3A_796 = tpu.memref_slice %arg8[%dma_wait3A_793, %dma_wait3A_794, %dma_wait3A_795] : memref<8x26x128xf32, #tpu.memory_space<vmem>> -> memref<1x26x128xf32, #tpu.memory_space<vmem>>
      %dma_wait3A_797 = tpu.memref_squeeze %dma_wait3A_796 : memref<1x26x128xf32, #tpu.memory_space<vmem>> -> memref<26x128xf32, #tpu.memory_space<vmem>>
      %dma_wait3A_798 = arith.constant 0 : i32
      %dma_wait3A_799 = tpu.memref_slice %arg5[%add3A_792, %dma_wait3A_798] : memref<512x26xi32, #tpu.memory_space<vmem>> -> memref<1x26xi32, #tpu.memory_space<vmem>>
      %dma_wait3A_800 = tpu.memref_squeeze %dma_wait3A_799 : memref<1x26xi32, #tpu.memory_space<vmem>> -> memref<26xi32, #tpu.memory_space<vmem>>
      %dma_wait3A_801 = arith.constant 0 : i32
      %dma_wait3A_802 = arith.constant 0 : i32
      %dma_wait3A_803 = tpu.memref_slice %arg3[%dma_wait3A_801, %dma_wait3A_802] : memref<1000000x128xf32, #tpu.memory_space<hbm>> -> memref<1000000x128xf32, #tpu.memory_space<hbm>>
      tpu.wait_indirect_dma semaphore(%arg12 : memref<!tpu.dma_semaphore, #tpu.memory_space<semaphore_mem>>) src(%dma_wait3A_803 : memref<1000000x128xf32, #tpu.memory_space<hbm>>) dst(%dma_wait3A_797 : memref<26x128xf32, #tpu.memory_space<vmem>>)
      %mul3A_804 = arith.constant 8 : i32
      %mul3A_805 = arith.muli %add3A_788, %mul3A_804 : i32
      %add3A_806 = arith.constant 1 : i32
      %add3A_807 = arith.addi %mul3A_805, %add3A_806 : i32
      %dma_wait3A_808 = arith.constant 1 : i32
      %dma_wait3A_809 = arith.constant 0 : i32
      %dma_wait3A_810 = arith.constant 0 : i32
      %dma_wait3A_811 = tpu.memref_slice %arg8[%dma_wait3A_808, %dma_wait3A_809, %dma_wait3A_810] : memref<8x26x128xf32, #tpu.memory_space<vmem>> -> memref<1x26x128xf32, #tpu.memory_space<vmem>>
      %dma_wait3A_812 = tpu.memref_squeeze %dma_wait3A_811 : memref<1x26x128xf32, #tpu.memory_space<vmem>> -> memref<26x128xf32, #tpu.memory_space<vmem>>
      %dma_wait3A_813 = arith.constant 0 : i32
      %dma_wait3A_814 = tpu.memref_slice %arg5[%add3A_807, %dma_wait3A_813] : memref<512x26xi32, #tpu.memory_space<vmem>> -> memref<1x26xi32, #tpu.memory_space<vmem>>
      %dma_wait3A_815 = tpu.memref_squeeze %dma_wait3A_814 : memref<1x26xi32, #tpu.memory_space<vmem>> -> memref<26xi32, #tpu.memory_space<vmem>>
      %dma_wait3A_816 = arith.constant 0 : i32
      %dma_wait3A_817 = arith.constant 0 : i32
      %dma_wait3A_818 = tpu.memref_slice %arg3[%dma_wait3A_816, %dma_wait3A_817] : memref<1000000x128xf32, #tpu.memory_space<hbm>> -> memref<1000000x128xf32, #tpu.memory_space<hbm>>
      tpu.wait_indirect_dma semaphore(%arg12 : memref<!tpu.dma_semaphore, #tpu.memory_space<semaphore_mem>>) src(%dma_wait3A_818 : memref<1000000x128xf32, #tpu.memory_space<hbm>>) dst(%dma_wait3A_812 : memref<26x128xf32, #tpu.memory_space<vmem>>)
      %mul3A_819 = arith.constant 8 : i32
      %mul3A_820 = arith.muli %add3A_788, %mul3A_819 : i32
      %add3A_821 = arith.constant 2 : i32
      %add3A_822 = arith.addi %mul3A_820, %add3A_821 : i32
      %dma_wait3A_823 = arith.constant 2 : i32
      %dma_wait3A_824 = arith.constant 0 : i32
      %dma_wait3A_825 = arith.constant 0 : i32
      %dma_wait3A_826 = tpu.memref_slice %arg8[%dma_wait3A_823, %dma_wait3A_824, %dma_wait3A_825] : memref<8x26x128xf32, #tpu.memory_space<vmem>> -> memref<1x26x128xf32, #tpu.memory_space<vmem>>
      %dma_wait3A_827 = tpu.memref_squeeze %dma_wait3A_826 : memref<1x26x128xf32, #tpu.memory_space<vmem>> -> memref<26x128xf32, #tpu.memory_space<vmem>>
      %dma_wait3A_828 = arith.constant 0 : i32
      %dma_wait3A_829 = tpu.memref_slice %arg5[%add3A_822, %dma_wait3A_828] : memref<512x26xi32, #tpu.memory_space<vmem>> -> memref<1x26xi32, #tpu.memory_space<vmem>>
      %dma_wait3A_830 = tpu.memref_squeeze %dma_wait3A_829 : memref<1x26xi32, #tpu.memory_space<vmem>> -> memref<26xi32, #tpu.memory_space<vmem>>
      %dma_wait3A_831 = arith.constant 0 : i32
      %dma_wait3A_832 = arith.constant 0 : i32
      %dma_wait3A_833 = tpu.memref_slice %arg3[%dma_wait3A_831, %dma_wait3A_832] : memref<1000000x128xf32, #tpu.memory_space<hbm>> -> memref<1000000x128xf32, #tpu.memory_space<hbm>>
      tpu.wait_indirect_dma semaphore(%arg12 : memref<!tpu.dma_semaphore, #tpu.memory_space<semaphore_mem>>) src(%dma_wait3A_833 : memref<1000000x128xf32, #tpu.memory_space<hbm>>) dst(%dma_wait3A_827 : memref<26x128xf32, #tpu.memory_space<vmem>>)
      %mul3A_834 = arith.constant 8 : i32
      %mul3A_835 = arith.muli %add3A_788, %mul3A_834 : i32
      %add3A_836 = arith.constant 3 : i32
      %add3A_837 = arith.addi %mul3A_835, %add3A_836 : i32
      %dma_wait3A_838 = arith.constant 3 : i32
      %dma_wait3A_839 = arith.constant 0 : i32
      %dma_wait3A_840 = arith.constant 0 : i32
      %dma_wait3A_841 = tpu.memref_slice %arg8[%dma_wait3A_838, %dma_wait3A_839, %dma_wait3A_840] : memref<8x26x128xf32, #tpu.memory_space<vmem>> -> memref<1x26x128xf32, #tpu.memory_space<vmem>>
      %dma_wait3A_842 = tpu.memref_squeeze %dma_wait3A_841 : memref<1x26x128xf32, #tpu.memory_space<vmem>> -> memref<26x128xf32, #tpu.memory_space<vmem>>
      %dma_wait3A_843 = arith.constant 0 : i32
      %dma_wait3A_844 = tpu.memref_slice %arg5[%add3A_837, %dma_wait3A_843] : memref<512x26xi32, #tpu.memory_space<vmem>> -> memref<1x26xi32, #tpu.memory_space<vmem>>
      %dma_wait3A_845 = tpu.memref_squeeze %dma_wait3A_844 : memref<1x26xi32, #tpu.memory_space<vmem>> -> memref<26xi32, #tpu.memory_space<vmem>>
      %dma_wait3A_846 = arith.constant 0 : i32
      %dma_wait3A_847 = arith.constant 0 : i32
      %dma_wait3A_848 = tpu.memref_slice %arg3[%dma_wait3A_846, %dma_wait3A_847] : memref<1000000x128xf32, #tpu.memory_space<hbm>> -> memref<1000000x128xf32, #tpu.memory_space<hbm>>
      tpu.wait_indirect_dma semaphore(%arg12 : memref<!tpu.dma_semaphore, #tpu.memory_space<semaphore_mem>>) src(%dma_wait3A_848 : memref<1000000x128xf32, #tpu.memory_space<hbm>>) dst(%dma_wait3A_842 : memref<26x128xf32, #tpu.memory_space<vmem>>)
      %mul3A_849 = arith.constant 8 : i32
      %mul3A_850 = arith.muli %add3A_788, %mul3A_849 : i32
      %add3A_851 = arith.constant 4 : i32
      %add3A_852 = arith.addi %mul3A_850, %add3A_851 : i32
      %dma_wait3A_853 = arith.constant 4 : i32
      %dma_wait3A_854 = arith.constant 0 : i32
      %dma_wait3A_855 = arith.constant 0 : i32
      %dma_wait3A_856 = tpu.memref_slice %arg8[%dma_wait3A_853, %dma_wait3A_854, %dma_wait3A_855] : memref<8x26x128xf32, #tpu.memory_space<vmem>> -> memref<1x26x128xf32, #tpu.memory_space<vmem>>
      %dma_wait3A_857 = tpu.memref_squeeze %dma_wait3A_856 : memref<1x26x128xf32, #tpu.memory_space<vmem>> -> memref<26x128xf32, #tpu.memory_space<vmem>>
      %dma_wait3A_858 = arith.constant 0 : i32
      %dma_wait3A_859 = tpu.memref_slice %arg5[%add3A_852, %dma_wait3A_858] : memref<512x26xi32, #tpu.memory_space<vmem>> -> memref<1x26xi32, #tpu.memory_space<vmem>>
      %dma_wait3A_860 = tpu.memref_squeeze %dma_wait3A_859 : memref<1x26xi32, #tpu.memory_space<vmem>> -> memref<26xi32, #tpu.memory_space<vmem>>
      %dma_wait3A_861 = arith.constant 0 : i32
      %dma_wait3A_862 = arith.constant 0 : i32
      %dma_wait3A_863 = tpu.memref_slice %arg3[%dma_wait3A_861, %dma_wait3A_862] : memref<1000000x128xf32, #tpu.memory_space<hbm>> -> memref<1000000x128xf32, #tpu.memory_space<hbm>>
      tpu.wait_indirect_dma semaphore(%arg12 : memref<!tpu.dma_semaphore, #tpu.memory_space<semaphore_mem>>) src(%dma_wait3A_863 : memref<1000000x128xf32, #tpu.memory_space<hbm>>) dst(%dma_wait3A_857 : memref<26x128xf32, #tpu.memory_space<vmem>>)
      %mul3A_864 = arith.constant 8 : i32
      %mul3A_865 = arith.muli %add3A_788, %mul3A_864 : i32
      %add3A_866 = arith.constant 5 : i32
      %add3A_867 = arith.addi %mul3A_865, %add3A_866 : i32
      %dma_wait3A_868 = arith.constant 5 : i32
      %dma_wait3A_869 = arith.constant 0 : i32
      %dma_wait3A_870 = arith.constant 0 : i32
      %dma_wait3A_871 = tpu.memref_slice %arg8[%dma_wait3A_868, %dma_wait3A_869, %dma_wait3A_870] : memref<8x26x128xf32, #tpu.memory_space<vmem>> -> memref<1x26x128xf32, #tpu.memory_space<vmem>>
      %dma_wait3A_872 = tpu.memref_squeeze %dma_wait3A_871 : memref<1x26x128xf32, #tpu.memory_space<vmem>> -> memref<26x128xf32, #tpu.memory_space<vmem>>
      %dma_wait3A_873 = arith.constant 0 : i32
      %dma_wait3A_874 = tpu.memref_slice %arg5[%add3A_867, %dma_wait3A_873] : memref<512x26xi32, #tpu.memory_space<vmem>> -> memref<1x26xi32, #tpu.memory_space<vmem>>
      %dma_wait3A_875 = tpu.memref_squeeze %dma_wait3A_874 : memref<1x26xi32, #tpu.memory_space<vmem>> -> memref<26xi32, #tpu.memory_space<vmem>>
      %dma_wait3A_876 = arith.constant 0 : i32
      %dma_wait3A_877 = arith.constant 0 : i32
      %dma_wait3A_878 = tpu.memref_slice %arg3[%dma_wait3A_876, %dma_wait3A_877] : memref<1000000x128xf32, #tpu.memory_space<hbm>> -> memref<1000000x128xf32, #tpu.memory_space<hbm>>
      tpu.wait_indirect_dma semaphore(%arg12 : memref<!tpu.dma_semaphore, #tpu.memory_space<semaphore_mem>>) src(%dma_wait3A_878 : memref<1000000x128xf32, #tpu.memory_space<hbm>>) dst(%dma_wait3A_872 : memref<26x128xf32, #tpu.memory_space<vmem>>)
      %mul3A_879 = arith.constant 8 : i32
      %mul3A_880 = arith.muli %add3A_788, %mul3A_879 : i32
      %add3A_881 = arith.constant 6 : i32
      %add3A_882 = arith.addi %mul3A_880, %add3A_881 : i32
      %dma_wait3A_883 = arith.constant 6 : i32
      %dma_wait3A_884 = arith.constant 0 : i32
      %dma_wait3A_885 = arith.constant 0 : i32
      %dma_wait3A_886 = tpu.memref_slice %arg8[%dma_wait3A_883, %dma_wait3A_884, %dma_wait3A_885] : memref<8x26x128xf32, #tpu.memory_space<vmem>> -> memref<1x26x128xf32, #tpu.memory_space<vmem>>
      %dma_wait3A_887 = tpu.memref_squeeze %dma_wait3A_886 : memref<1x26x128xf32, #tpu.memory_space<vmem>> -> memref<26x128xf32, #tpu.memory_space<vmem>>
      %dma_wait3A_888 = arith.constant 0 : i32
      %dma_wait3A_889 = tpu.memref_slice %arg5[%add3A_882, %dma_wait3A_888] : memref<512x26xi32, #tpu.memory_space<vmem>> -> memref<1x26xi32, #tpu.memory_space<vmem>>
      %dma_wait3A_890 = tpu.memref_squeeze %dma_wait3A_889 : memref<1x26xi32, #tpu.memory_space<vmem>> -> memref<26xi32, #tpu.memory_space<vmem>>
      %dma_wait3A_891 = arith.constant 0 : i32
      %dma_wait3A_892 = arith.constant 0 : i32
      %dma_wait3A_893 = tpu.memref_slice %arg3[%dma_wait3A_891, %dma_wait3A_892] : memref<1000000x128xf32, #tpu.memory_space<hbm>> -> memref<1000000x128xf32, #tpu.memory_space<hbm>>
      tpu.wait_indirect_dma semaphore(%arg12 : memref<!tpu.dma_semaphore, #tpu.memory_space<semaphore_mem>>) src(%dma_wait3A_893 : memref<1000000x128xf32, #tpu.memory_space<hbm>>) dst(%dma_wait3A_887 : memref<26x128xf32, #tpu.memory_space<vmem>>)
      %mul3A_894 = arith.constant 8 : i32
      %mul3A_895 = arith.muli %add3A_788, %mul3A_894 : i32
      %add3A_896 = arith.constant 7 : i32
      %add3A_897 = arith.addi %mul3A_895, %add3A_896 : i32
      %dma_wait3A_898 = arith.constant 7 : i32
      %dma_wait3A_899 = arith.constant 0 : i32
      %dma_wait3A_900 = arith.constant 0 : i32
      %dma_wait3A_901 = tpu.memref_slice %arg8[%dma_wait3A_898, %dma_wait3A_899, %dma_wait3A_900] : memref<8x26x128xf32, #tpu.memory_space<vmem>> -> memref<1x26x128xf32, #tpu.memory_space<vmem>>
      %dma_wait3A_902 = tpu.memref_squeeze %dma_wait3A_901 : memref<1x26x128xf32, #tpu.memory_space<vmem>> -> memref<26x128xf32, #tpu.memory_space<vmem>>
      %dma_wait3A_903 = arith.constant 0 : i32
      %dma_wait3A_904 = tpu.memref_slice %arg5[%add3A_897, %dma_wait3A_903] : memref<512x26xi32, #tpu.memory_space<vmem>> -> memref<1x26xi32, #tpu.memory_space<vmem>>
      %dma_wait3A_905 = tpu.memref_squeeze %dma_wait3A_904 : memref<1x26xi32, #tpu.memory_space<vmem>> -> memref<26xi32, #tpu.memory_space<vmem>>
      %dma_wait3A_906 = arith.constant 0 : i32
      %dma_wait3A_907 = arith.constant 0 : i32
      %dma_wait3A_908 = tpu.memref_slice %arg3[%dma_wait3A_906, %dma_wait3A_907] : memref<1000000x128xf32, #tpu.memory_space<hbm>> -> memref<1000000x128xf32, #tpu.memory_space<hbm>>
      tpu.wait_indirect_dma semaphore(%arg12 : memref<!tpu.dma_semaphore, #tpu.memory_space<semaphore_mem>>) src(%dma_wait3A_908 : memref<1000000x128xf32, #tpu.memory_space<hbm>>) dst(%dma_wait3A_902 : memref<26x128xf32, #tpu.memory_space<vmem>>)
      %mul3A_909 = arith.constant 8 : i32
      %mul3A_910 = arith.muli %add3A_788, %mul3A_909 : i32
      %add3A_911 = arith.addi %mul3A_2, %mul3A_910 : i32
      %dma_start3A_912 = arith.constant 0 : i32
      %dma_start3A_913 = arith.constant 0 : i32
      %dma_start3A_914 = arith.constant 0 : i32
      %dma_start3A_915 = tpu.memref_slice %arg8[%dma_start3A_912, %dma_start3A_913, %dma_start3A_914] : memref<8x26x128xf32, #tpu.memory_space<vmem>> -> memref<8x26x64xf32, #tpu.memory_space<vmem>>
      %dma_start3A_916 = arith.constant 0 : i32
      %dma_start3A_917 = arith.constant 0 : i32
      %dma_start3A_918 = tpu.memref_slice %arg4[%add3A_911, %dma_start3A_916, %dma_start3A_917] : memref<16384x26x64xf32, #tpu.memory_space<hbm>> -> memref<8x26x64xf32, #tpu.memory_space<hbm>>
      %dma_start3A_919 = arith.constant 0 : i32
      %dma_start3A_920 = arith.constant 0 : i32
      %dma_start3A_921 = tpu.memref_slice %arg4[%add3A_911, %dma_start3A_919, %dma_start3A_920] : memref<16384x26x64xf32, #tpu.memory_space<hbm>> -> memref<8x26x64xf32, #tpu.memory_space<hbm>>
      %dma_start3A_922 = arith.constant 0 : i32
      %dma_start3A_923 = arith.constant 0 : i32
      %dma_start3A_924 = arith.constant 0 : i32
      %dma_start3A_925 = tpu.memref_slice %arg8[%dma_start3A_922, %dma_start3A_923, %dma_start3A_924] : memref<8x26x128xf32, #tpu.memory_space<vmem>> -> memref<8x26x64xf32, #tpu.memory_space<vmem>>
      tpu.enqueue_dma source(%dma_start3A_925 : memref<8x26x64xf32, #tpu.memory_space<vmem>>) target(%dma_start3A_921 : memref<8x26x64xf32, #tpu.memory_space<hbm>>) target_semaphore(%arg16 : memref<!tpu.dma_semaphore, #tpu.memory_space<semaphore_mem>>)
      %mul3A_926 = arith.constant 4 : i32
      %mul3A_927 = arith.muli %scan3A_8, %mul3A_926 : i32
      %add3A_928 = arith.constant 3 : i32
      %add3A_929 = arith.addi %mul3A_927, %add3A_928 : i32
      %mul3A_930 = arith.constant 8 : i32
      %mul3A_931 = arith.muli %add3A_929, %mul3A_930 : i32
      %add3A_932 = arith.constant 0 : i32
      %add3A_933 = arith.addi %mul3A_931, %add3A_932 : i32
      %dma_wait3A_934 = arith.constant 0 : i32
      %dma_wait3A_935 = arith.constant 0 : i32
      %dma_wait3A_936 = arith.constant 0 : i32
      %dma_wait3A_937 = tpu.memref_slice %arg9[%dma_wait3A_934, %dma_wait3A_935, %dma_wait3A_936] : memref<8x26x128xf32, #tpu.memory_space<vmem>> -> memref<1x26x128xf32, #tpu.memory_space<vmem>>
      %dma_wait3A_938 = tpu.memref_squeeze %dma_wait3A_937 : memref<1x26x128xf32, #tpu.memory_space<vmem>> -> memref<26x128xf32, #tpu.memory_space<vmem>>
      %dma_wait3A_939 = arith.constant 0 : i32
      %dma_wait3A_940 = tpu.memref_slice %arg5[%add3A_933, %dma_wait3A_939] : memref<512x26xi32, #tpu.memory_space<vmem>> -> memref<1x26xi32, #tpu.memory_space<vmem>>
      %dma_wait3A_941 = tpu.memref_squeeze %dma_wait3A_940 : memref<1x26xi32, #tpu.memory_space<vmem>> -> memref<26xi32, #tpu.memory_space<vmem>>
      %dma_wait3A_942 = arith.constant 0 : i32
      %dma_wait3A_943 = arith.constant 0 : i32
      %dma_wait3A_944 = tpu.memref_slice %arg3[%dma_wait3A_942, %dma_wait3A_943] : memref<1000000x128xf32, #tpu.memory_space<hbm>> -> memref<1000000x128xf32, #tpu.memory_space<hbm>>
      tpu.wait_indirect_dma semaphore(%arg13 : memref<!tpu.dma_semaphore, #tpu.memory_space<semaphore_mem>>) src(%dma_wait3A_944 : memref<1000000x128xf32, #tpu.memory_space<hbm>>) dst(%dma_wait3A_938 : memref<26x128xf32, #tpu.memory_space<vmem>>)
      %mul3A_945 = arith.constant 8 : i32
      %mul3A_946 = arith.muli %add3A_929, %mul3A_945 : i32
      %add3A_947 = arith.constant 1 : i32
      %add3A_948 = arith.addi %mul3A_946, %add3A_947 : i32
      %dma_wait3A_949 = arith.constant 1 : i32
      %dma_wait3A_950 = arith.constant 0 : i32
      %dma_wait3A_951 = arith.constant 0 : i32
      %dma_wait3A_952 = tpu.memref_slice %arg9[%dma_wait3A_949, %dma_wait3A_950, %dma_wait3A_951] : memref<8x26x128xf32, #tpu.memory_space<vmem>> -> memref<1x26x128xf32, #tpu.memory_space<vmem>>
      %dma_wait3A_953 = tpu.memref_squeeze %dma_wait3A_952 : memref<1x26x128xf32, #tpu.memory_space<vmem>> -> memref<26x128xf32, #tpu.memory_space<vmem>>
      %dma_wait3A_954 = arith.constant 0 : i32
      %dma_wait3A_955 = tpu.memref_slice %arg5[%add3A_948, %dma_wait3A_954] : memref<512x26xi32, #tpu.memory_space<vmem>> -> memref<1x26xi32, #tpu.memory_space<vmem>>
      %dma_wait3A_956 = tpu.memref_squeeze %dma_wait3A_955 : memref<1x26xi32, #tpu.memory_space<vmem>> -> memref<26xi32, #tpu.memory_space<vmem>>
      %dma_wait3A_957 = arith.constant 0 : i32
      %dma_wait3A_958 = arith.constant 0 : i32
      %dma_wait3A_959 = tpu.memref_slice %arg3[%dma_wait3A_957, %dma_wait3A_958] : memref<1000000x128xf32, #tpu.memory_space<hbm>> -> memref<1000000x128xf32, #tpu.memory_space<hbm>>
      tpu.wait_indirect_dma semaphore(%arg13 : memref<!tpu.dma_semaphore, #tpu.memory_space<semaphore_mem>>) src(%dma_wait3A_959 : memref<1000000x128xf32, #tpu.memory_space<hbm>>) dst(%dma_wait3A_953 : memref<26x128xf32, #tpu.memory_space<vmem>>)
      %mul3A_960 = arith.constant 8 : i32
      %mul3A_961 = arith.muli %add3A_929, %mul3A_960 : i32
      %add3A_962 = arith.constant 2 : i32
      %add3A_963 = arith.addi %mul3A_961, %add3A_962 : i32
      %dma_wait3A_964 = arith.constant 2 : i32
      %dma_wait3A_965 = arith.constant 0 : i32
      %dma_wait3A_966 = arith.constant 0 : i32
      %dma_wait3A_967 = tpu.memref_slice %arg9[%dma_wait3A_964, %dma_wait3A_965, %dma_wait3A_966] : memref<8x26x128xf32, #tpu.memory_space<vmem>> -> memref<1x26x128xf32, #tpu.memory_space<vmem>>
      %dma_wait3A_968 = tpu.memref_squeeze %dma_wait3A_967 : memref<1x26x128xf32, #tpu.memory_space<vmem>> -> memref<26x128xf32, #tpu.memory_space<vmem>>
      %dma_wait3A_969 = arith.constant 0 : i32
      %dma_wait3A_970 = tpu.memref_slice %arg5[%add3A_963, %dma_wait3A_969] : memref<512x26xi32, #tpu.memory_space<vmem>> -> memref<1x26xi32, #tpu.memory_space<vmem>>
      %dma_wait3A_971 = tpu.memref_squeeze %dma_wait3A_970 : memref<1x26xi32, #tpu.memory_space<vmem>> -> memref<26xi32, #tpu.memory_space<vmem>>
      %dma_wait3A_972 = arith.constant 0 : i32
      %dma_wait3A_973 = arith.constant 0 : i32
      %dma_wait3A_974 = tpu.memref_slice %arg3[%dma_wait3A_972, %dma_wait3A_973] : memref<1000000x128xf32, #tpu.memory_space<hbm>> -> memref<1000000x128xf32, #tpu.memory_space<hbm>>
      tpu.wait_indirect_dma semaphore(%arg13 : memref<!tpu.dma_semaphore, #tpu.memory_space<semaphore_mem>>) src(%dma_wait3A_974 : memref<1000000x128xf32, #tpu.memory_space<hbm>>) dst(%dma_wait3A_968 : memref<26x128xf32, #tpu.memory_space<vmem>>)
      %mul3A_975 = arith.constant 8 : i32
      %mul3A_976 = arith.muli %add3A_929, %mul3A_975 : i32
      %add3A_977 = arith.constant 3 : i32
      %add3A_978 = arith.addi %mul3A_976, %add3A_977 : i32
      %dma_wait3A_979 = arith.constant 3 : i32
      %dma_wait3A_980 = arith.constant 0 : i32
      %dma_wait3A_981 = arith.constant 0 : i32
      %dma_wait3A_982 = tpu.memref_slice %arg9[%dma_wait3A_979, %dma_wait3A_980, %dma_wait3A_981] : memref<8x26x128xf32, #tpu.memory_space<vmem>> -> memref<1x26x128xf32, #tpu.memory_space<vmem>>
      %dma_wait3A_983 = tpu.memref_squeeze %dma_wait3A_982 : memref<1x26x128xf32, #tpu.memory_space<vmem>> -> memref<26x128xf32, #tpu.memory_space<vmem>>
      %dma_wait3A_984 = arith.constant 0 : i32
      %dma_wait3A_985 = tpu.memref_slice %arg5[%add3A_978, %dma_wait3A_984] : memref<512x26xi32, #tpu.memory_space<vmem>> -> memref<1x26xi32, #tpu.memory_space<vmem>>
      %dma_wait3A_986 = tpu.memref_squeeze %dma_wait3A_985 : memref<1x26xi32, #tpu.memory_space<vmem>> -> memref<26xi32, #tpu.memory_space<vmem>>
      %dma_wait3A_987 = arith.constant 0 : i32
      %dma_wait3A_988 = arith.constant 0 : i32
      %dma_wait3A_989 = tpu.memref_slice %arg3[%dma_wait3A_987, %dma_wait3A_988] : memref<1000000x128xf32, #tpu.memory_space<hbm>> -> memref<1000000x128xf32, #tpu.memory_space<hbm>>
      tpu.wait_indirect_dma semaphore(%arg13 : memref<!tpu.dma_semaphore, #tpu.memory_space<semaphore_mem>>) src(%dma_wait3A_989 : memref<1000000x128xf32, #tpu.memory_space<hbm>>) dst(%dma_wait3A_983 : memref<26x128xf32, #tpu.memory_space<vmem>>)
      %mul3A_990 = arith.constant 8 : i32
      %mul3A_991 = arith.muli %add3A_929, %mul3A_990 : i32
      %add3A_992 = arith.constant 4 : i32
      %add3A_993 = arith.addi %mul3A_991, %add3A_992 : i32
      %dma_wait3A_994 = arith.constant 4 : i32
      %dma_wait3A_995 = arith.constant 0 : i32
      %dma_wait3A_996 = arith.constant 0 : i32
      %dma_wait3A_997 = tpu.memref_slice %arg9[%dma_wait3A_994, %dma_wait3A_995, %dma_wait3A_996] : memref<8x26x128xf32, #tpu.memory_space<vmem>> -> memref<1x26x128xf32, #tpu.memory_space<vmem>>
      %dma_wait3A_998 = tpu.memref_squeeze %dma_wait3A_997 : memref<1x26x128xf32, #tpu.memory_space<vmem>> -> memref<26x128xf32, #tpu.memory_space<vmem>>
      %dma_wait3A_999 = arith.constant 0 : i32
      %dma_wait3A_1000 = tpu.memref_slice %arg5[%add3A_993, %dma_wait3A_999] : memref<512x26xi32, #tpu.memory_space<vmem>> -> memref<1x26xi32, #tpu.memory_space<vmem>>
      %dma_wait3A_1001 = tpu.memref_squeeze %dma_wait3A_1000 : memref<1x26xi32, #tpu.memory_space<vmem>> -> memref<26xi32, #tpu.memory_space<vmem>>
      %dma_wait3A_1002 = arith.constant 0 : i32
      %dma_wait3A_1003 = arith.constant 0 : i32
      %dma_wait3A_1004 = tpu.memref_slice %arg3[%dma_wait3A_1002, %dma_wait3A_1003] : memref<1000000x128xf32, #tpu.memory_space<hbm>> -> memref<1000000x128xf32, #tpu.memory_space<hbm>>
      tpu.wait_indirect_dma semaphore(%arg13 : memref<!tpu.dma_semaphore, #tpu.memory_space<semaphore_mem>>) src(%dma_wait3A_1004 : memref<1000000x128xf32, #tpu.memory_space<hbm>>) dst(%dma_wait3A_998 : memref<26x128xf32, #tpu.memory_space<vmem>>)
      %mul3A_1005 = arith.constant 8 : i32
      %mul3A_1006 = arith.muli %add3A_929, %mul3A_1005 : i32
      %add3A_1007 = arith.constant 5 : i32
      %add3A_1008 = arith.addi %mul3A_1006, %add3A_1007 : i32
      %dma_wait3A_1009 = arith.constant 5 : i32
      %dma_wait3A_1010 = arith.constant 0 : i32
      %dma_wait3A_1011 = arith.constant 0 : i32
      %dma_wait3A_1012 = tpu.memref_slice %arg9[%dma_wait3A_1009, %dma_wait3A_1010, %dma_wait3A_1011] : memref<8x26x128xf32, #tpu.memory_space<vmem>> -> memref<1x26x128xf32, #tpu.memory_space<vmem>>
      %dma_wait3A_1013 = tpu.memref_squeeze %dma_wait3A_1012 : memref<1x26x128xf32, #tpu.memory_space<vmem>> -> memref<26x128xf32, #tpu.memory_space<vmem>>
      %dma_wait3A_1014 = arith.constant 0 : i32
      %dma_wait3A_1015 = tpu.memref_slice %arg5[%add3A_1008, %dma_wait3A_1014] : memref<512x26xi32, #tpu.memory_space<vmem>> -> memref<1x26xi32, #tpu.memory_space<vmem>>
      %dma_wait3A_1016 = tpu.memref_squeeze %dma_wait3A_1015 : memref<1x26xi32, #tpu.memory_space<vmem>> -> memref<26xi32, #tpu.memory_space<vmem>>
      %dma_wait3A_1017 = arith.constant 0 : i32
      %dma_wait3A_1018 = arith.constant 0 : i32
      %dma_wait3A_1019 = tpu.memref_slice %arg3[%dma_wait3A_1017, %dma_wait3A_1018] : memref<1000000x128xf32, #tpu.memory_space<hbm>> -> memref<1000000x128xf32, #tpu.memory_space<hbm>>
      tpu.wait_indirect_dma semaphore(%arg13 : memref<!tpu.dma_semaphore, #tpu.memory_space<semaphore_mem>>) src(%dma_wait3A_1019 : memref<1000000x128xf32, #tpu.memory_space<hbm>>) dst(%dma_wait3A_1013 : memref<26x128xf32, #tpu.memory_space<vmem>>)
      %mul3A_1020 = arith.constant 8 : i32
      %mul3A_1021 = arith.muli %add3A_929, %mul3A_1020 : i32
      %add3A_1022 = arith.constant 6 : i32
      %add3A_1023 = arith.addi %mul3A_1021, %add3A_1022 : i32
      %dma_wait3A_1024 = arith.constant 6 : i32
      %dma_wait3A_1025 = arith.constant 0 : i32
      %dma_wait3A_1026 = arith.constant 0 : i32
      %dma_wait3A_1027 = tpu.memref_slice %arg9[%dma_wait3A_1024, %dma_wait3A_1025, %dma_wait3A_1026] : memref<8x26x128xf32, #tpu.memory_space<vmem>> -> memref<1x26x128xf32, #tpu.memory_space<vmem>>
      %dma_wait3A_1028 = tpu.memref_squeeze %dma_wait3A_1027 : memref<1x26x128xf32, #tpu.memory_space<vmem>> -> memref<26x128xf32, #tpu.memory_space<vmem>>
      %dma_wait3A_1029 = arith.constant 0 : i32
      %dma_wait3A_1030 = tpu.memref_slice %arg5[%add3A_1023, %dma_wait3A_1029] : memref<512x26xi32, #tpu.memory_space<vmem>> -> memref<1x26xi32, #tpu.memory_space<vmem>>
      %dma_wait3A_1031 = tpu.memref_squeeze %dma_wait3A_1030 : memref<1x26xi32, #tpu.memory_space<vmem>> -> memref<26xi32, #tpu.memory_space<vmem>>
      %dma_wait3A_1032 = arith.constant 0 : i32
      %dma_wait3A_1033 = arith.constant 0 : i32
      %dma_wait3A_1034 = tpu.memref_slice %arg3[%dma_wait3A_1032, %dma_wait3A_1033] : memref<1000000x128xf32, #tpu.memory_space<hbm>> -> memref<1000000x128xf32, #tpu.memory_space<hbm>>
      tpu.wait_indirect_dma semaphore(%arg13 : memref<!tpu.dma_semaphore, #tpu.memory_space<semaphore_mem>>) src(%dma_wait3A_1034 : memref<1000000x128xf32, #tpu.memory_space<hbm>>) dst(%dma_wait3A_1028 : memref<26x128xf32, #tpu.memory_space<vmem>>)
      %mul3A_1035 = arith.constant 8 : i32
      %mul3A_1036 = arith.muli %add3A_929, %mul3A_1035 : i32
      %add3A_1037 = arith.constant 7 : i32
      %add3A_1038 = arith.addi %mul3A_1036, %add3A_1037 : i32
      %dma_wait3A_1039 = arith.constant 7 : i32
      %dma_wait3A_1040 = arith.constant 0 : i32
      %dma_wait3A_1041 = arith.constant 0 : i32
      %dma_wait3A_1042 = tpu.memref_slice %arg9[%dma_wait3A_1039, %dma_wait3A_1040, %dma_wait3A_1041] : memref<8x26x128xf32, #tpu.memory_space<vmem>> -> memref<1x26x128xf32, #tpu.memory_space<vmem>>
      %dma_wait3A_1043 = tpu.memref_squeeze %dma_wait3A_1042 : memref<1x26x128xf32, #tpu.memory_space<vmem>> -> memref<26x128xf32, #tpu.memory_space<vmem>>
      %dma_wait3A_1044 = arith.constant 0 : i32
      %dma_wait3A_1045 = tpu.memref_slice %arg5[%add3A_1038, %dma_wait3A_1044] : memref<512x26xi32, #tpu.memory_space<vmem>> -> memref<1x26xi32, #tpu.memory_space<vmem>>
      %dma_wait3A_1046 = tpu.memref_squeeze %dma_wait3A_1045 : memref<1x26xi32, #tpu.memory_space<vmem>> -> memref<26xi32, #tpu.memory_space<vmem>>
      %dma_wait3A_1047 = arith.constant 0 : i32
      %dma_wait3A_1048 = arith.constant 0 : i32
      %dma_wait3A_1049 = tpu.memref_slice %arg3[%dma_wait3A_1047, %dma_wait3A_1048] : memref<1000000x128xf32, #tpu.memory_space<hbm>> -> memref<1000000x128xf32, #tpu.memory_space<hbm>>
      tpu.wait_indirect_dma semaphore(%arg13 : memref<!tpu.dma_semaphore, #tpu.memory_space<semaphore_mem>>) src(%dma_wait3A_1049 : memref<1000000x128xf32, #tpu.memory_space<hbm>>) dst(%dma_wait3A_1043 : memref<26x128xf32, #tpu.memory_space<vmem>>)
      %mul3A_1050 = arith.constant 8 : i32
      %mul3A_1051 = arith.muli %add3A_929, %mul3A_1050 : i32
      %add3A_1052 = arith.addi %mul3A_2, %mul3A_1051 : i32
      %dma_start3A_1053 = arith.constant 0 : i32
      %dma_start3A_1054 = arith.constant 0 : i32
      %dma_start3A_1055 = arith.constant 0 : i32
      %dma_start3A_1056 = tpu.memref_slice %arg9[%dma_start3A_1053, %dma_start3A_1054, %dma_start3A_1055] : memref<8x26x128xf32, #tpu.memory_space<vmem>> -> memref<8x26x64xf32, #tpu.memory_space<vmem>>
      %dma_start3A_1057 = arith.constant 0 : i32
      %dma_start3A_1058 = arith.constant 0 : i32
      %dma_start3A_1059 = tpu.memref_slice %arg4[%add3A_1052, %dma_start3A_1057, %dma_start3A_1058] : memref<16384x26x64xf32, #tpu.memory_space<hbm>> -> memref<8x26x64xf32, #tpu.memory_space<hbm>>
      %dma_start3A_1060 = arith.constant 0 : i32
      %dma_start3A_1061 = arith.constant 0 : i32
      %dma_start3A_1062 = tpu.memref_slice %arg4[%add3A_1052, %dma_start3A_1060, %dma_start3A_1061] : memref<16384x26x64xf32, #tpu.memory_space<hbm>> -> memref<8x26x64xf32, #tpu.memory_space<hbm>>
      %dma_start3A_1063 = arith.constant 0 : i32
      %dma_start3A_1064 = arith.constant 0 : i32
      %dma_start3A_1065 = arith.constant 0 : i32
      %dma_start3A_1066 = tpu.memref_slice %arg9[%dma_start3A_1063, %dma_start3A_1064, %dma_start3A_1065] : memref<8x26x128xf32, #tpu.memory_space<vmem>> -> memref<8x26x64xf32, #tpu.memory_space<vmem>>
      tpu.enqueue_dma source(%dma_start3A_1066 : memref<8x26x64xf32, #tpu.memory_space<vmem>>) target(%dma_start3A_1062 : memref<8x26x64xf32, #tpu.memory_space<hbm>>) target_semaphore(%arg17 : memref<!tpu.dma_semaphore, #tpu.memory_space<semaphore_mem>>)
      %mul3A_1067 = arith.constant 4 : i32
      %mul3A_1068 = arith.muli %scan3A_8, %mul3A_1067 : i32
      %add3A_1069 = arith.constant 0 : i32
      %add3A_1070 = arith.addi %mul3A_1068, %add3A_1069 : i32
      %mul3A_1071 = arith.constant 8 : i32
      %mul3A_1072 = arith.muli %add3A_1070, %mul3A_1071 : i32
      %add3A_1073 = arith.addi %mul3A_2, %mul3A_1072 : i32
      %dma_wait3A_1074 = arith.constant 0 : i32
      %dma_wait3A_1075 = arith.constant 0 : i32
      %dma_wait3A_1076 = arith.constant 0 : i32
      %dma_wait3A_1077 = tpu.memref_slice %arg6[%dma_wait3A_1074, %dma_wait3A_1075, %dma_wait3A_1076] : memref<8x26x128xf32, #tpu.memory_space<vmem>> -> memref<8x26x64xf32, #tpu.memory_space<vmem>>
      %dma_wait3A_1078 = arith.constant 0 : i32
      %dma_wait3A_1079 = arith.constant 0 : i32
      %dma_wait3A_1080 = tpu.memref_slice %arg4[%add3A_1073, %dma_wait3A_1078, %dma_wait3A_1079] : memref<16384x26x64xf32, #tpu.memory_space<hbm>> -> memref<8x26x64xf32, #tpu.memory_space<hbm>>
      %dma_wait3A_1081 = arith.constant 0 : i32
      %dma_wait3A_1082 = arith.constant 0 : i32
      %dma_wait3A_1083 = tpu.memref_slice %arg4[%add3A_1073, %dma_wait3A_1081, %dma_wait3A_1082] : memref<16384x26x64xf32, #tpu.memory_space<hbm>> -> memref<8x26x64xf32, #tpu.memory_space<hbm>>
      %dma_wait3A_1084 = arith.constant 0 : i32
      %dma_wait3A_1085 = arith.constant 0 : i32
      %dma_wait3A_1086 = arith.constant 0 : i32
      %dma_wait3A_1087 = tpu.memref_slice %arg6[%dma_wait3A_1084, %dma_wait3A_1085, %dma_wait3A_1086] : memref<8x26x128xf32, #tpu.memory_space<vmem>> -> memref<8x26x64xf32, #tpu.memory_space<vmem>>
      tpu.wait_dma2 semaphore(%arg14 : memref<!tpu.dma_semaphore, #tpu.memory_space<semaphore_mem>>) src(%dma_wait3A_1087 : memref<8x26x64xf32, #tpu.memory_space<vmem>>) dst(%dma_wait3A_1083 : memref<8x26x64xf32, #tpu.memory_space<hbm>>)
      %mul3A_1088 = arith.constant 4 : i32
      %mul3A_1089 = arith.muli %scan3A_8, %mul3A_1088 : i32
      %add3A_1090 = arith.constant 1 : i32
      %add3A_1091 = arith.addi %mul3A_1089, %add3A_1090 : i32
      %mul3A_1092 = arith.constant 8 : i32
      %mul3A_1093 = arith.muli %add3A_1091, %mul3A_1092 : i32
      %add3A_1094 = arith.addi %mul3A_2, %mul3A_1093 : i32
      %dma_wait3A_1095 = arith.constant 0 : i32
      %dma_wait3A_1096 = arith.constant 0 : i32
      %dma_wait3A_1097 = arith.constant 0 : i32
      %dma_wait3A_1098 = tpu.memref_slice %arg7[%dma_wait3A_1095, %dma_wait3A_1096, %dma_wait3A_1097] : memref<8x26x128xf32, #tpu.memory_space<vmem>> -> memref<8x26x64xf32, #tpu.memory_space<vmem>>
      %dma_wait3A_1099 = arith.constant 0 : i32
      %dma_wait3A_1100 = arith.constant 0 : i32
      %dma_wait3A_1101 = tpu.memref_slice %arg4[%add3A_1094, %dma_wait3A_1099, %dma_wait3A_1100] : memref<16384x26x64xf32, #tpu.memory_space<hbm>> -> memref<8x26x64xf32, #tpu.memory_space<hbm>>
      %dma_wait3A_1102 = arith.constant 0 : i32
      %dma_wait3A_1103 = arith.constant 0 : i32
      %dma_wait3A_1104 = tpu.memref_slice %arg4[%add3A_1094, %dma_wait3A_1102, %dma_wait3A_1103] : memref<16384x26x64xf32, #tpu.memory_space<hbm>> -> memref<8x26x64xf32, #tpu.memory_space<hbm>>
      %dma_wait3A_1105 = arith.constant 0 : i32
      %dma_wait3A_1106 = arith.constant 0 : i32
      %dma_wait3A_1107 = arith.constant 0 : i32
      %dma_wait3A_1108 = tpu.memref_slice %arg7[%dma_wait3A_1105, %dma_wait3A_1106, %dma_wait3A_1107] : memref<8x26x128xf32, #tpu.memory_space<vmem>> -> memref<8x26x64xf32, #tpu.memory_space<vmem>>
      tpu.wait_dma2 semaphore(%arg15 : memref<!tpu.dma_semaphore, #tpu.memory_space<semaphore_mem>>) src(%dma_wait3A_1108 : memref<8x26x64xf32, #tpu.memory_space<vmem>>) dst(%dma_wait3A_1104 : memref<8x26x64xf32, #tpu.memory_space<hbm>>)
      %mul3A_1109 = arith.constant 4 : i32
      %mul3A_1110 = arith.muli %scan3A_8, %mul3A_1109 : i32
      %add3A_1111 = arith.constant 2 : i32
      %add3A_1112 = arith.addi %mul3A_1110, %add3A_1111 : i32
      %mul3A_1113 = arith.constant 8 : i32
      %mul3A_1114 = arith.muli %add3A_1112, %mul3A_1113 : i32
      %add3A_1115 = arith.addi %mul3A_2, %mul3A_1114 : i32
      %dma_wait3A_1116 = arith.constant 0 : i32
      %dma_wait3A_1117 = arith.constant 0 : i32
      %dma_wait3A_1118 = arith.constant 0 : i32
      %dma_wait3A_1119 = tpu.memref_slice %arg8[%dma_wait3A_1116, %dma_wait3A_1117, %dma_wait3A_1118] : memref<8x26x128xf32, #tpu.memory_space<vmem>> -> memref<8x26x64xf32, #tpu.memory_space<vmem>>
      %dma_wait3A_1120 = arith.constant 0 : i32
      %dma_wait3A_1121 = arith.constant 0 : i32
      %dma_wait3A_1122 = tpu.memref_slice %arg4[%add3A_1115, %dma_wait3A_1120, %dma_wait3A_1121] : memref<16384x26x64xf32, #tpu.memory_space<hbm>> -> memref<8x26x64xf32, #tpu.memory_space<hbm>>
      %dma_wait3A_1123 = arith.constant 0 : i32
      %dma_wait3A_1124 = arith.constant 0 : i32
      %dma_wait3A_1125 = tpu.memref_slice %arg4[%add3A_1115, %dma_wait3A_1123, %dma_wait3A_1124] : memref<16384x26x64xf32, #tpu.memory_space<hbm>> -> memref<8x26x64xf32, #tpu.memory_space<hbm>>
      %dma_wait3A_1126 = arith.constant 0 : i32
      %dma_wait3A_1127 = arith.constant 0 : i32
      %dma_wait3A_1128 = arith.constant 0 : i32
      %dma_wait3A_1129 = tpu.memref_slice %arg8[%dma_wait3A_1126, %dma_wait3A_1127, %dma_wait3A_1128] : memref<8x26x128xf32, #tpu.memory_space<vmem>> -> memref<8x26x64xf32, #tpu.memory_space<vmem>>
      tpu.wait_dma2 semaphore(%arg16 : memref<!tpu.dma_semaphore, #tpu.memory_space<semaphore_mem>>) src(%dma_wait3A_1129 : memref<8x26x64xf32, #tpu.memory_space<vmem>>) dst(%dma_wait3A_1125 : memref<8x26x64xf32, #tpu.memory_space<hbm>>)
      %mul3A_1130 = arith.constant 4 : i32
      %mul3A_1131 = arith.muli %scan3A_8, %mul3A_1130 : i32
      %add3A_1132 = arith.constant 3 : i32
      %add3A_1133 = arith.addi %mul3A_1131, %add3A_1132 : i32
      %mul3A_1134 = arith.constant 8 : i32
      %mul3A_1135 = arith.muli %add3A_1133, %mul3A_1134 : i32
      %add3A_1136 = arith.addi %mul3A_2, %mul3A_1135 : i32
      %dma_wait3A_1137 = arith.constant 0 : i32
      %dma_wait3A_1138 = arith.constant 0 : i32
      %dma_wait3A_1139 = arith.constant 0 : i32
      %dma_wait3A_1140 = tpu.memref_slice %arg9[%dma_wait3A_1137, %dma_wait3A_1138, %dma_wait3A_1139] : memref<8x26x128xf32, #tpu.memory_space<vmem>> -> memref<8x26x64xf32, #tpu.memory_space<vmem>>
      %dma_wait3A_1141 = arith.constant 0 : i32
      %dma_wait3A_1142 = arith.constant 0 : i32
      %dma_wait3A_1143 = tpu.memref_slice %arg4[%add3A_1136, %dma_wait3A_1141, %dma_wait3A_1142] : memref<16384x26x64xf32, #tpu.memory_space<hbm>> -> memref<8x26x64xf32, #tpu.memory_space<hbm>>
      %dma_wait3A_1144 = arith.constant 0 : i32
      %dma_wait3A_1145 = arith.constant 0 : i32
      %dma_wait3A_1146 = tpu.memref_slice %arg4[%add3A_1136, %dma_wait3A_1144, %dma_wait3A_1145] : memref<16384x26x64xf32, #tpu.memory_space<hbm>> -> memref<8x26x64xf32, #tpu.memory_space<hbm>>
      %dma_wait3A_1147 = arith.constant 0 : i32
      %dma_wait3A_1148 = arith.constant 0 : i32
      %dma_wait3A_1149 = arith.constant 0 : i32
      %dma_wait3A_1150 = tpu.memref_slice %arg9[%dma_wait3A_1147, %dma_wait3A_1148, %dma_wait3A_1149] : memref<8x26x128xf32, #tpu.memory_space<vmem>> -> memref<8x26x64xf32, #tpu.memory_space<vmem>>
      tpu.wait_dma2 semaphore(%arg17 : memref<!tpu.dma_semaphore, #tpu.memory_space<semaphore_mem>>) src(%dma_wait3A_1150 : memref<8x26x64xf32, #tpu.memory_space<vmem>>) dst(%dma_wait3A_1146 : memref<8x26x64xf32, #tpu.memory_space<hbm>>)
    }
    %scan3A_7 = arith.constant 16 : i32
    return
  }
}

module attributes {stable_mosaic.version = 14 : i64} {
  func.func @_relayout_block(%arg0: i32, %arg1: memref<64x14336xf32, #tpu.memory_space<vmem>>, %arg2: memref<14336x128xf32, #tpu.memory_space<vmem>>) attributes {dimension_semantics = [#tpu.dimension_semantics<arbitrary>], iteration_bounds = array<i64: 70>, scalar_prefetch = 0 : i64, scratch_operands = 0 : i64, tpu.core_type = #tpu.core_type<tc>, window_params = [{transform_indices = @transform_0, window_bounds = array<i64: 64, 14336>}, {transform_indices = @transform_1, window_bounds = array<i64: 14336, 128>}]} {
    %get3A = arith.constant 0 : index
    %get3A_0 = arith.constant 0 : index
    %get3A_1 = vector.load %arg1[%get3A, %get3A_0] : memref<64x14336xf32, #tpu.memory_space<vmem>>, vector<64x14336xf32>
    %transpose3A = tpu.transpose %get3A_1, [1, 0] : vector<64x14336xf32> -> vector<14336x64xf32>
    %swap3A = arith.constant 0 : index
    %swap3A_2 = arith.constant 0 : index
    %swap3A_3 = vector.load %arg2[%swap3A, %swap3A_2] : memref<14336x128xf32, #tpu.memory_space<vmem>>, vector<14336x64xf32>
    tpu.vector_store %arg2[%swap3A, %swap3A_2], %transpose3A {strides = array<i32>} : memref<14336x128xf32, #tpu.memory_space<vmem>>, vector<14336x64xf32>,
    return
  }
  func.func @transform_0(%arg0: i32) -> (i32, i32) {
    %c0_i32 = arith.constant 0 : i32
    %c0_i32_0 = arith.constant 0 : i32
    return %c0_i32, %arg0 : i32, i32
  }
  func.func @transform_1(%arg0: i32) -> (i32, i32) {
    %c0_i32 = arith.constant 0 : i32
    %c0_i32_0 = arith.constant 0 : i32
    return %arg0, %c0_i32 : i32, i32
  }
}

</mosaic_0001>

<sc_bundles>
// kernel: kernel.4.cloned.1.call-start
scs
__scs_entry_jumppad:
0x0: {  	(pc) =	sbr.rel $0x88, $3  }
0x1: {  	(tag) =	ssettag $0x0;
	lr =	simm.s32 $0x1  }
0x2: {  	[smem:$0x3F9F] =	sst lr;
	_ =	strace $0xD0000000  }
0x3: {  	_ = 	snop  }
0x4: {  	_ = 	snop  }
0x5: {  	_ = 	snop  }
0x6: {  	_ = 	snop  }
0x7: {  	_ = 	snop  }
__scs_overlays_trampoline_lowered:
0x8: {  	[smem:$0x3FAE] =	sst s0  }
0x9: {  	[smem:$0x3FAF] =	sst s1  }
0xa: {  	[smem:$0x3FB0] =	sst s2  }
0xb: {  	[smem:$0x3FB1] =	sst s3  }
0xc: {  	[smem:$0x3FB2] =	sst s4  }
0xd: {  	[smem:$0x3FB3] =	sst s5  }
0xe: {  	[smem:$0x3FB4] =	sst s6  }
0xf: {  	[smem:$0x3FB5] =	sst s7  }
0x10: {  	[smem:$0x3FB6] =	sst s8  }
0x11: {  	[smem:$0x3FB7] =	sst s9;
	s0 =	simm.s32 @!p0 $0x0  }
0x12: {  	s1 =	sld [smem:$0x3F9D];
	s0 =	simm.s32 @p0 $0x1  }
0x13: {  	[smem:$0x3FB8] =	sst s0;
	s0 =	simm.s32 @!p1 $0x0  }
0x14: {  	s2 =	sld [smem:$0x3F9C];
	s0 =	simm.s32 @p1 $0x1  }
0x15: {  	[smem:$0x3FB9] =	sst s0;
	s0 =	simm.s32 @!p2 $0x0  }
0x16: {  	s3 =	sld [smem:$0x3FDB];
	s0 =	simm.s32 @p2 $0x1  }
0x17: {  	s4 =	simm.s32 $0x1BF5;
	[smem:$0x3FBB] =	sst s0  }
0x18: {  	s0 =	sld [smem:$0x3F9E];
	_ =	swait.ge [sflag:s4], $0x0  }
0x19: {  	s7 =	sld [smem:$0x3F9F]  }
0x1a: {  	s8 =	sadd.s32 $0xFFFFE003, lr  }
0x1b: {  	s9 =	sadd.s32 $0xFFFFFEF7, lr;
	s5 =	simm.s32 $0xFFFFFFFF;
	p2 =	slt.u32 s8, $0xFFFFF086  }
0x1c: {  	p1 =	slt.u32 s9, $0xF7A;
	s5 =	simm.s32 @!p2 $0x0  }
0x1d: {  	s5 =	simm.s32 @p1 $0x1;
	p0 =	seq.s32 s7, s2  }
0x1e: {  	s7 =	smul.u32 @!p0 $0xF7A, s2;
	p2 =	seq.s32 @!p0 s5, $0x0  }
0x1f: {  	s9 =	smul.u32 $0xF7A, s1;
	s8 =	simm.s32 @!p0 $0x1BF5;
	p2 =	por !p2, p0  }
0x20: {  	[sflag:s8] =	ssyncset.s32 @!p0 $0xFFFFF086;
	s6 =	sadd.s32 @!p0 s3, s7;
	s7 =	simm.s32 @!p0 $0x108  }
0x21: {  	s3 =	sadd.s32 s3, s9;
	s6 =	sadd.s32 @!p0 $0x88, s6;
	s7 =	simm.s32 @p2 $0x1082  }
0x22: {  	[simem:s7], [sflag:s8] =	dma.local @!p0 [hbm:s6], $0xF7A  }
0x23: {  	s9 =	sor.u32 $0xD0000000, s2;
	s6 =	simm.s32 $0x108;
	_ =	swait.ge @!p0 [sflag:s8], $0x0  }
0x24: {  	s3 =	sadd.s32 $0x88, s3;
	s6 =	simm.s32 @!p1 $0x1082;
	[sflag:s4] =	ssyncset.s32 $0xFFFFF086  }
0x25: {  	[simem:s6], [sflag:s4] =	dma.local [hbm:s3], $0xF7A  }
0x26: {  	[smem:$0x3F9F] =	sst s1;
	(tag) =	ssettag s2;
	_ =	strace s9  }
0x27: {  	s1 =	sld [smem:$0x3FAF]  }
0x28: {  	s2 =	sld [smem:$0x3FB0]  }
0x29: {  	s4 =	sld [smem:$0x3FB2]  }
0x2a: {  	p0 =	seq.s32 s5, $0x0;
	s5 =	sld [smem:$0x3FB3]  }
0x2b: {  	s6 =	sld [smem:$0x3FB4]  }
0x2c: {  	s7 =	sld [smem:$0x3FB5]  }
0x2d: {  	s3 =	simm.s32 $0x108;
	s8 =	sld [smem:$0x3FB6]  }
0x2e: {  	s3 =	simm.s32 @!p0 $0x1082;
	s9 =	sld [smem:$0x3FB7]  }
0x2f: {  	lr =	sadd.s32 s0, s3;
	s0 =	sld [smem:$0x3FAE]  }
0x30: {  	s3 =	sld [smem:$0x3FB1]  }
0x31: {  	[smem:$0x3FBA] =	sst s10  }
0x32: {  	s10 =	sld [smem:$0x3FB8];
	_ =	sdelay $0x3  }
0x33: {  	p0 =	seq.s32 s10, $0x1;
	s10 =	sld [smem:$0x3FBA];
	_ =	sdelay $0x3  }
0x34: {  	[smem:$0x3FBA] =	sst s10  }
0x35: {  	s10 =	sld [smem:$0x3FB9];
	_ =	sdelay $0x3  }
0x36: {  	p1 =	seq.s32 s10, $0x1;
	s10 =	sld [smem:$0x3FBA];
	_ =	sdelay $0x3  }
0x37: {  	[smem:$0x3FBA] =	sst s10  }
0x38: {  	s10 =	sld [smem:$0x3FBB]  }
0x39: {  	_ = 	snop;
	(pc) =	sbr.ind lr, $3  }
0x3a: {  	_ = 	snop  }
0x3b: {  	_ = 	snop  }
0x3c: {  	p2 =	seq.s32 s10, $0x1;
	s10 =	sld [smem:$0x3FBA]  }
0x3d: {  	_ =	shalt  }
0x3e: {  	_ =	shalt  }
0x3f: {  	_ =	shalt  }
0x40: {  	_ =	shalt  }
0x41: {  	_ =	shalt  }
0x42: {  	_ =	shalt  }
0x43: {  	_ =	shalt  }
0x44: {  	_ =	shalt  }
0x45: {  	_ =	shalt  }
0x46: {  	_ =	shalt  }
0x47: {  	_ =	shalt  }
0x48: {  	_ =	shalt  }
0x49: {  	_ =	shalt  }
0x4a: {  	_ =	shalt  }
0x4b: {  	_ =	shalt  }
0x4c: {  	_ =	shalt  }
0x4d: {  	_ =	shalt  }
0x4e: {  	_ =	shalt  }
0x4f: {  	_ =	shalt  }
0x50: {  	_ =	shalt  }
0x51: {  	_ =	shalt  }
0x52: {  	_ =	shalt  }
0x53: {  	_ =	shalt  }
0x54: {  	_ =	shalt  }
0x55: {  	_ =	shalt  }
0x56: {  	_ =	shalt  }
0x57: {  	_ =	shalt  }
0x58: {  	_ =	shalt  }
0x59: {  	_ =	shalt  }
0x5a: {  	_ =	shalt  }
0x5b: {  	_ =	shalt  }
0x5c: {  	_ =	shalt  }
0x5d: {  	_ =	shalt  }
0x5e: {  	_ =	shalt  }
0x5f: {  	_ =	shalt  }
0x60: {  	_ =	shalt  }
0x61: {  	_ =	shalt  }
0x62: {  	_ =	shalt  }
0x63: {  	_ =	shalt  }
0x64: {  	_ =	shalt  }
0x65: {  	_ =	shalt  }
0x66: {  	_ =	shalt  }
0x67: {  	_ =	shalt  }
0x68: {  	_ =	shalt  }
0x69: {  	_ =	shalt  }
0x6a: {  	_ =	shalt  }
0x6b: {  	_ =	shalt  }
0x6c: {  	_ =	shalt  }
0x6d: {  	_ =	shalt  }
0x6e: {  	_ =	shalt  }
0x6f: {  	_ =	shalt  }
0x70: {  	_ =	shalt  }
0x71: {  	_ =	shalt  }
0x72: {  	_ =	shalt  }
0x73: {  	_ =	shalt  }
0x74: {  	_ =	shalt  }
0x75: {  	_ =	shalt  }
0x76: {  	_ =	shalt  }
0x77: {  	_ =	shalt  }
0x78: {  	_ =	shalt  }
0x79: {  	_ =	shalt  }
0x7a: {  	_ =	shalt  }
0x7b: {  	_ =	shalt  }
0x7c: {  	_ =	shalt  }
0x7d: {  	_ =	shalt  }
0x7e: {  	_ =	shalt  }
0x7f: {  	_ =	shalt  }
0x80: {  	_ =	shalt  }
0x81: {  	_ =	shalt  }
0x82: {  	_ =	shalt  }
0x83: {  	_ =	shalt  }
0x84: {  	_ =	shalt  }
0x85: {  	_ =	shalt  }
0x86: {  	_ =	shalt  }
0x87: {  	_ =	shalt  }
.Lfunc_end0:
.L_simem_size_0:
called_computation.1_lowered:
.L_overlay_start_0:
0x88: {  	s2 =	sld [smem:$0x3FD9]  }
0x89: {  	s3 =	sld [smem:$0x3FFE];
	_ =	sdelay $0x1  }
0x8a: {  	s1 =	srdreg.scid  }
0x8b: {  	s0 =	sand.u32 $0x1, s1  }
0x8c: {  	s17 =	sshll.u32 s0, $0xA;
	s2 =	sadd.s32 s3, s2  }
0x8d: {  	s2 =	sadd.s32 s2, s17  }
0x8e: {  	[smem:$0x3FC6] =	sst s2  }
0x8f: {  	_ = 	snop  }
0x90: {  	s2 =	sld [smem:$0x3FD0];
	(tm) =	ssettm $0x1  }
0x91: {  	s18 =	sld [smem:$0x3FFB];
	_ =	sdelay $0x3  }
0x92: {  	_ =	strace s18  }
0x93: {  	s3 =	sld [smem:$0x3FFC];
	_ =	sdelay $0x3  }
0x94: {  	_ =	strace s3  }
0x95: {  	s3 =	sld [smem:$0x3FFD];
	_ =	sdelay $0x3  }
0x96: {  	_ =	strace s3  }
0x97: {  	_ =	strace $0x8FFFFFFF  }
0x98: {  	s19 =	sld [smem:$0x3FDB];
	_ =	sdelay $0x1  }
0x99: {  	s4 =	simm.s32 $_scs_section_size  }
0x9a: {  	s5 =	simm.s32 $_size__tile_overlayer_lowered;
	s6 =	simm.s32 $_tile_overlayer_lowered  }
0x9b: {  	s22 =	simm.s32 $0x1BFF;
	s21 =	sshll.u32 s6, $0x1;
	s3 =	sadd.s32 s4, s19  }
0x9c: {  	s7 =	simm.s32 $0x0;
	s20 =	sshll.u32 s5, $0x1;
	s5 =	sadd.s32 s21, s3  }
0x9d: {  	[timem:s7], [sflag:s22] =	dma.local [hbm:s5], s20  }
0x9e: {  	_ =	swait.ge [sflag:s22], s20  }
0x9f: {  	s4 =	ssub.s32 $0x0, s20;
	[sflag:s22] =	ssyncset.done $0x0  }
0xa0: {  	[sflag:s22] =	ssyncadd.s32 s4;
	_ =	sdelay $0x1  }
0xa1: {  	s23 =	simm.s32 $0x1B8B  }
0xa2: {  	_ =	swait.ge [sflag:s23], $0x1  }
0xa3: {  	[sflag:s23] =	ssyncset.done $0x0  }
0xa4: {  	s25 =	simm.s32 $0x1B8E;
	s24 =	sld [smem:$0x3FFE];
	[sflag:s23] =	ssyncadd.s32 $0xFFFFFFFF  }
0xa5: {  	s26 =	simm.s32 $execute0_lowered;
	[smem:$0x3FD2] =	sst s25  }
0xa6: {  	s5 =	sshll.u32 s26, $0x1;
	_ =	strace $0x80000046;
	[dreg:$0x1] =	wrdreg $0xFFFFFFFF  }
0xa7: {  	s28 =	simm.s32 $_size_execute0_lowered;
	s3 =	sadd.s32 s3, s5;
	[dreg:$0x0] =	wrdreg $0x0  }
0xa8: {  	s5 =	sshll.u32 s28, $0x1;
	[dreg:$0x2] =	wrdreg s3  }
0xa9: {  	[dreg:$0x3] =	wrdreg s5  }
0xaa: {  	[dreg:$0x4] =	wrdreg $0xC0  }
0xab: {  	_ =	task [dreg:s7], $0x5FFFF  }
0xac: {  	[dreg:$0x1] =	wrdreg $0xFFFFFFFF  }
0xad: {  	[dreg:$0x0] =	wrdreg $0x60  }
0xae: {  	[dreg:$0x2] =	wrdreg s24  }
0xaf: {  	[dreg:$0x3] =	wrdreg s2  }
0xb0: {  	[dreg:$0x4] =	wrdreg $0x9  }
0xb1: {  	_ =	task.clear_ibuf [dreg:s7], $0x5FFFF;
	_ =	strace $0x90000046  }
0xb2: {  	s29 =	simm.s32 $0x9;
	_ =	strace $0x80000048  }
0xb3: {  	_ =	swait.ge [sflag:s29], $0x1  }
0xb4: {  	[sflag:s29] =	ssyncadd.s32 $0xFFFFFFFF  }
0xb5: {  	_ =	strace $0x90000048  }
0xb6: {  	_ =	sfence  }
0xb7: {  	s30 =	sld [smem:$0x0];
	_ =	sdelay $0x2  }
0xb8: {  	s31 =	sshll.u32 s1, $0xD;
	s1 =	sshrl.u32 s1, $0x2  }
0xb9: {  	s3 =	sand.u32 $0x4000, s31;
	s1 =	sadd.s32 s1, s30  }
0xba: {  	s0 =	sor.u32 s3, s0;
	s1 =	sshll.u32 s1, $0x11  }
0xbb: {  	s0 =	sor.u32 s1, s0  }
0xbc: {  	s0 =	sadd.s32 $0x8F2B, s0  }
0xbd: {  	[sflag:s0] =	ssyncadd.remote.s32 $0x1  }
0xbe: {  	_ =	sfence.sel $0xFFFF  }
0xbf: {  	[dreg:$0x0] =	wrdreg $0xFFFFFFFF;
	(pc) =	sbr.abs _section_cstart, $3  }
0xc0: {  	[dreg:$0x1] =	wrdreg $0xFFFFFFFF  }
0xc1: {  	_ =	task.clear_ibuf [dreg:s7], $0x2FFFF;
	_ =	strace $0x9FFFFFFF  }
0xc2: {  	(tm) =	ssettm $0x7FFFFFFF  }
0xc3: {  	_ =	shalt  }
tec
execute0_lowered:
.L_overlay_start_1:
0x0: {  	(tag) =	ssettag $0x1  }
0x1: {  	s0 =	rddreg [dreg:$0x0];
	s1 =	srdreg.scid  }
0x2: {  	s2 =	rddreg [dreg:$0x1];
	s3 =	stileid.u32  }
0x3: {  	s9 =	simm.s32 $0x1A;
	s8 =	simm.s32 $0x19200;
	s10 =	simm.s32 $0x19F00  }
0x4: {  	s11 =	simm.s32 $0x1AC00;
	s12 =	simm.s32 $0x1B900;
	s13 =	simm.s32 $0x1C600  }
0x5: {  	s14 =	simm.s32 $0x1D300;
	s15 =	simm.s32 $0x1;
	s16 =	simm.s32 $0x2  }
0x6: {  	s17 =	simm.s32 $0x3;
	s18 =	simm.s32 $0x4;
	s19 =	simm.s32 $0x5  }
0x7: {  	s20 =	simm.s32 $0x6;
	s21 =	simm.s32 $0x7;
	s22 =	simm.s32 $0x8  }
0x8: {  	s23 =	simm.s32 $0x0;
	s1 =	sand.u32 $0x1, s1;
	s4 =	sshll.u32 s3, $0xA  }
0x9: {  	s3 =	simm.s32 $0x0;
	s5 =	sshll.u32 s1, $0x9;
	s1 =	ssub.s32 $0x2, s1  }
0xa: {  	[smem:$0x7FF] =	sst s3;
	s4 =	sor.u32 s5, s4;
	s6 =	sshrl.u32 s1, $0x1  }
0xb: {  	_ =	strace $0x80000047;
	s5 =	sshll.u32 s4, $0x2;
	s1 =	ssub.s32 s1, s6  }
0xc: {  	s6 =	simm.s32 $0x17800;
	s7 =	sadd.s32 s5, s0;
	s31 =	smax.u32 s1, $0x1  }
0xd: {  	s5 =	sadd.s32 $0x10800, s0;
	s30 =	sadd.s32 $0x800, s7;
	[dreg:$0x4] =	wrdreg s31  }
0xe: {  	s1 =	simm.s32 $0x16B00;
	s7 =	simm.s32 $0x18500;
	[dreg:$0x3] =	wrdreg s30  }
.LBB2_1:
0xf: {  	[dreg:$0x5] =	wrdreg s23  }
0x10: {  	s0 =	rddreg [dreg:$0x3];
	s31 =	simm.s32 $0x9  }
0x11: {  	[tilespmem:s3], [sflag:$0x9] =	stream.linear.gather [hbm4b:s0+s3], $0x4000, $0x38;
	[tilespmem:$0x1E000] =	vst v63  }
0x12: {  	_ =	swait.ge [sflag:s31], $0x4000  }
0x13: {  	[sflag:s31] =	ssyncset.done $0x0  }
0x14: {  	s23 =	simm.s32 $0x0;
	[sflag:s31] =	ssyncadd.s32 $0xFFFFC000  }
.LBB2_2:
0x15: {  	s0 =	sshll.u32 s23, $0xA  }
0x16: {  	s28 =	simm.s32 $0x4000;
	s30 =	sand.u32 $0x3FFFFC00, s0  }
0x17: {  	[tilespmem:s28], [sflag:$0x1] =	stream.indirect.gather [hbm4b:s5+s9], $0x80, s30, s9, $0xb8;
	[tilespmem:$0x1E000] =	vst v63  }
0x18: {  	s24 =	simm.s32 $0x4D00;
	s0 =	sor.u32 $0x20, s30  }
0x19: {  	[tilespmem:s24], [sflag:$0x1] =	stream.indirect.gather [hbm4b:s5+s9], $0x80, s0, s9, $0xb8;
	[tilespmem:$0x1E000] =	vst v63  }
0x1a: {  	s26 =	simm.s32 $0x5A00;
	s25 =	sor.u32 $0x40, s30  }
0x1b: {  	[tilespmem:s26], [sflag:$0x1] =	stream.indirect.gather [hbm4b:s5+s9], $0x80, s25, s9, $0xb8;
	[tilespmem:$0x1E000] =	vst v63  }
0x1c: {  	s25 =	sor.u32 $0x60, s30;
	s26 =	simm.s32 $0x6700  }
0x1d: {  	[tilespmem:s26], [sflag:$0x1] =	stream.indirect.gather [hbm4b:s5+s9], $0x80, s25, s9, $0xb8;
	[tilespmem:$0x1E000] =	vst v63  }
0x1e: {  	s25 =	sor.u32 $0x80, s30;
	s26 =	simm.s32 $0x7400  }
0x1f: {  	[tilespmem:s26], [sflag:$0x1] =	stream.indirect.gather [hbm4b:s5+s9], $0x80, s25, s9, $0xb8;
	[tilespmem:$0x1E000] =	vst v63  }
0x20: {  	s25 =	sor.u32 $0xA0, s30;
	s26 =	simm.s32 $0x8100  }
0x21: {  	[tilespmem:s26], [sflag:$0x1] =	stream.indirect.gather [hbm4b:s5+s9], $0x80, s25, s9, $0xb8;
	[tilespmem:$0x1E000] =	vst v63  }
0x22: {  	s25 =	sor.u32 $0xC0, s30;
	s26 =	simm.s32 $0x8E00  }
0x23: {  	[tilespmem:s26], [sflag:$0x1] =	stream.indirect.gather [hbm4b:s5+s9], $0x80, s25, s9, $0xb8;
	[tilespmem:$0x1E000] =	vst v63  }
0x24: {  	s29 =	sshll.u32 s23, $0x5;
	s25 =	sor.u32 $0xE0, s30;
	s26 =	simm.s32 $0x9B00  }
0x25: {  	[tilespmem:s26], [sflag:$0x1] =	stream.indirect.gather [hbm4b:s5+s9], $0x80, s25, s9, $0xb8;
	[tilespmem:$0x1E000] =	vst v63  }
0x26: {  	s26 =	sor.u32 $0x8, s29  }
0x27: {  	s24 =	sshll.u32 s26, $0x5  }
0x28: {  	s25 =	simm.s32 $0xA800;
	s0 =	sand.u32 $0x3FFFFD00, s24  }
0x29: {  	[tilespmem:s25], [sflag:$0x2] =	stream.indirect.gather [hbm4b:s5+s9], $0x80, s0, s9, $0xb8;
	[tilespmem:$0x1E000] =	vst v63  }
0x2a: {  	s24 =	sor.u32 $0x120, s30;
	s25 =	simm.s32 $0xB500  }
0x2b: {  	[tilespmem:s25], [sflag:$0x2] =	stream.indirect.gather [hbm4b:s5+s9], $0x80, s24, s9, $0xb8;
	[tilespmem:$0x1E000] =	vst v63  }
0x2c: {  	s24 =	sor.u32 $0x140, s30;
	s25 =	simm.s32 $0xC200  }
0x2d: {  	[tilespmem:s25], [sflag:$0x2] =	stream.indirect.gather [hbm4b:s5+s9], $0x80, s24, s9, $0xb8;
	[tilespmem:$0x1E000] =	vst v63  }
0x2e: {  	s24 =	sor.u32 $0x160, s30;
	s25 =	simm.s32 $0xCF00  }
0x2f: {  	[tilespmem:s25], [sflag:$0x2] =	stream.indirect.gather [hbm4b:s5+s9], $0x80, s24, s9, $0xb8;
	[tilespmem:$0x1E000] =	vst v63  }
0x30: {  	s24 =	sor.u32 $0x180, s30;
	s25 =	simm.s32 $0xDC00  }
0x31: {  	[tilespmem:s25], [sflag:$0x2] =	stream.indirect.gather [hbm4b:s5+s9], $0x80, s24, s9, $0xb8;
	[tilespmem:$0x1E000] =	vst v63  }
0x32: {  	s24 =	sor.u32 $0x1A0, s30;
	s25 =	simm.s32 $0xE900  }
0x33: {  	[tilespmem:s25], [sflag:$0x2] =	stream.indirect.gather [hbm4b:s5+s9], $0x80, s24, s9, $0xb8;
	[tilespmem:$0x1E000] =	vst v63  }
0x34: {  	s24 =	sor.u32 $0x1C0, s30;
	s25 =	simm.s32 $0xF600  }
0x35: {  	[tilespmem:s25], [sflag:$0x2] =	stream.indirect.gather [hbm4b:s5+s9], $0x80, s24, s9, $0xb8;
	[tilespmem:$0x1E000] =	vst v63  }
0x36: {  	s24 =	sor.u32 $0x1E0, s30;
	s25 =	simm.s32 $0x10300  }
0x37: {  	[tilespmem:s25], [sflag:$0x2] =	stream.indirect.gather [hbm4b:s5+s9], $0x80, s24, s9, $0xb8;
	[tilespmem:$0x1E000] =	vst v63  }
0x38: {  	s25 =	sor.u32 $0x10, s29  }
0x39: {  	s24 =	sshll.u32 s25, $0x5  }
0x3a: {  	s0 =	sand.u32 $0x3FFFFE00, s24;
	s24 =	simm.s32 $0x11000  }
0x3b: {  	[tilespmem:s24], [sflag:$0x3] =	stream.indirect.gather [hbm4b:s5+s9], $0x80, s0, s9, $0xb8;
	[tilespmem:$0x1E000] =	vst v63  }
0x3c: {  	s0 =	sor.u32 $0x220, s30;
	s24 =	simm.s32 $0x11D00  }
0x3d: {  	[tilespmem:s24], [sflag:$0x3] =	stream.indirect.gather [hbm4b:s5+s9], $0x80, s0, s9, $0xb8;
	[tilespmem:$0x1E000] =	vst v63  }
0x3e: {  	s0 =	sor.u32 $0x240, s30;
	s24 =	simm.s32 $0x12A00  }
0x3f: {  	[tilespmem:s24], [sflag:$0x3] =	stream.indirect.gather [hbm4b:s5+s9], $0x80, s0, s9, $0xb8;
	[tilespmem:$0x1E000] =	vst v63  }
0x40: {  	s0 =	sor.u32 $0x260, s30;
	s24 =	simm.s32 $0x13700  }
0x41: {  	[tilespmem:s24], [sflag:$0x3] =	stream.indirect.gather [hbm4b:s5+s9], $0x80, s0, s9, $0xb8;
	[tilespmem:$0x1E000] =	vst v63  }
0x42: {  	s0 =	sor.u32 $0x280, s30;
	s24 =	simm.s32 $0x14400  }
0x43: {  	[tilespmem:s24], [sflag:$0x3] =	stream.indirect.gather [hbm4b:s5+s9], $0x80, s0, s9, $0xb8;
	[tilespmem:$0x1E000] =	vst v63  }
0x44: {  	s0 =	sor.u32 $0x2A0, s30;
	s24 =	simm.s32 $0x15100  }
0x45: {  	[tilespmem:s24], [sflag:$0x3] =	stream.indirect.gather [hbm4b:s5+s9], $0x80, s0, s9, $0xb8;
	[tilespmem:$0x1E000] =	vst v63  }
0x46: {  	s0 =	sor.u32 $0x2C0, s30;
	s24 =	simm.s32 $0x15E00  }
0x47: {  	[tilespmem:s24], [sflag:$0x3] =	stream.indirect.gather [hbm4b:s5+s9], $0x80, s0, s9, $0xb8;
	[tilespmem:$0x1E000] =	vst v63  }
0x48: {  	s24 =	sor.u32 $0x2E0, s30  }
0x49: {  	[tilespmem:s1], [sflag:$0x3] =	stream.indirect.gather [hbm4b:s5+s9], $0x80, s24, s9, $0xb8;
	[tilespmem:$0x1E000] =	vst v63  }
0x4a: {  	s24 =	sor.u32 $0x18, s29  }
0x4b: {  	s0 =	sshll.u32 s24, $0x5  }
0x4c: {  	s0 =	sand.u32 $0x3FFFFF00, s0  }
0x4d: {  	[tilespmem:s6], [sflag:$0x4] =	stream.indirect.gather [hbm4b:s5+s9], $0x80, s0, s9, $0xb8;
	[tilespmem:$0x1E000] =	vst v63  }
0x4e: {  	s0 =	sor.u32 $0x320, s30  }
0x4f: {  	[tilespmem:s7], [sflag:$0x4] =	stream.indirect.gather [hbm4b:s5+s9], $0x80, s0, s9, $0xb8;
	[tilespmem:$0x1E000] =	vst v63  }
0x50: {  	s0 =	sor.u32 $0x340, s30  }
0x51: {  	[tilespmem:s8], [sflag:$0x4] =	stream.indirect.gather [hbm4b:s5+s9], $0x80, s0, s9, $0xb8;
	[tilespmem:$0x1E000] =	vst v63  }
0x52: {  	s0 =	sor.u32 $0x360, s30  }
0x53: {  	[tilespmem:s10], [sflag:$0x4] =	stream.indirect.gather [hbm4b:s5+s9], $0x80, s0, s9, $0xb8;
	[tilespmem:$0x1E000] =	vst v63  }
0x54: {  	s0 =	sor.u32 $0x380, s30  }
0x55: {  	[tilespmem:s11], [sflag:$0x4] =	stream.indirect.gather [hbm4b:s5+s9], $0x80, s0, s9, $0xb8;
	[tilespmem:$0x1E000] =	vst v63  }
0x56: {  	s0 =	sor.u32 $0x3A0, s30  }
0x57: {  	[tilespmem:s12], [sflag:$0x4] =	stream.indirect.gather [hbm4b:s5+s9], $0x80, s0, s9, $0xb8;
	[tilespmem:$0x1E000] =	vst v63  }
0x58: {  	s0 =	sor.u32 $0x3C0, s30  }
0x59: {  	[tilespmem:s13], [sflag:$0x4] =	stream.indirect.gather [hbm4b:s5+s9], $0x80, s0, s9, $0xb8;
	[tilespmem:$0x1E000] =	vst v63  }
0x5a: {  	s0 =	sor.u32 $0x3E0, s30  }
0x5b: {  	[tilespmem:s14], [sflag:$0x4] =	stream.indirect.gather [hbm4b:s5+s9], $0x80, s0, s9, $0xb8;
	[tilespmem:$0x1E000] =	vst v63  }
0x5c: {  	_ =	swait.ge [sflag:s15], $0xD00  }
0x5d: {  	[sflag:s15] =	ssyncset.done $0x0  }
0x5e: {  	[sflag:s15] =	ssyncadd.s32 $0xFFFFF300  }
0x5f: {  	_ =	swait.ge [sflag:s15], $0xD00  }
0x60: {  	[sflag:s15] =	ssyncset.done $0x0  }
0x61: {  	[sflag:s15] =	ssyncadd.s32 $0xFFFFF300  }
0x62: {  	_ =	swait.ge [sflag:s15], $0xD00  }
0x63: {  	[sflag:s15] =	ssyncset.done $0x0  }
0x64: {  	[sflag:s15] =	ssyncadd.s32 $0xFFFFF300  }
0x65: {  	_ =	swait.ge [sflag:s15], $0xD00  }
0x66: {  	[sflag:s15] =	ssyncset.done $0x0  }
0x67: {  	[sflag:s15] =	ssyncadd.s32 $0xFFFFF300  }
0x68: {  	_ =	swait.ge [sflag:s15], $0xD00  }
0x69: {  	[sflag:s15] =	ssyncset.done $0x0  }
0x6a: {  	[sflag:s15] =	ssyncadd.s32 $0xFFFFF300  }
0x6b: {  	_ =	swait.ge [sflag:s15], $0xD00  }
0x6c: {  	[sflag:s15] =	ssyncset.done $0x0  }
0x6d: {  	[sflag:s15] =	ssyncadd.s32 $0xFFFFF300  }
0x6e: {  	_ =	swait.ge [sflag:s15], $0xD00  }
0x6f: {  	s0 =	sadd.s32 s4, s29;
	[sflag:s15] =	ssyncset.done $0x0  }
0x70: {  	s0 =	smul.u32 $0xD0, s0;
	[sflag:s15] =	ssyncadd.s32 $0xFFFFF300  }
0x71: {  	_ =	swait.ge [sflag:s15], $0xD00  }
0x72: {  	s31 =	simm.s32 $0x4080;
	s29 =	sadd.s32 s2, s0;
	[sflag:s15] =	ssyncset.done $0x0  }
0x73: {  	s30 =	simm.s32 $0x8;
	s0 =	sadd.s32 $0x0, s29;
	[sflag:s15] =	ssyncadd.s32 $0xFFFFF300  }
.LBB2_3:
0x74: {  	[hbm4b:s0+s3] =	stream.linear.scatter [tilespmem:s28], [sflag:$0x5], $0x40, $0x38;
	[tilespmem:$0x1E000] =	vst v63  }
0x75: {  	s0 =	smov.u32 s30;
	s28 =	smov.u32 s31;
	p0 =	sne.s32 s30, $0x678  }
.Ltmp0:
0x76: {  	s30 =	sadd.s32 $0x8, s30;
	(pc) =	sbr.rel @p0 .LBB2_3-.Ltmp0, $2  }
0x77: {  	_ =	sdelay $0x2  }
0x78: {  	s31 =	sadd.s32 $0x80, s31;
	s0 =	sadd.s32 s0, s29  }
0x79: {  	[hbm4b:s0+s3] =	stream.linear.scatter [tilespmem:s28], [sflag:$0x5], $0x40, $0x38;
	[tilespmem:$0x1E000] =	vst v63  }
0x7a: {  	_ =	swait.ge [sflag:s16], $0xD00  }
0x7b: {  	[sflag:s16] =	ssyncset.done $0x0  }
0x7c: {  	[sflag:s16] =	ssyncadd.s32 $0xFFFFF300  }
0x7d: {  	_ =	swait.ge [sflag:s16], $0xD00  }
0x7e: {  	[sflag:s16] =	ssyncset.done $0x0  }
0x7f: {  	[sflag:s16] =	ssyncadd.s32 $0xFFFFF300  }
0x80: {  	_ =	swait.ge [sflag:s16], $0xD00  }
0x81: {  	[sflag:s16] =	ssyncset.done $0x0  }
0x82: {  	[sflag:s16] =	ssyncadd.s32 $0xFFFFF300  }
0x83: {  	_ =	swait.ge [sflag:s16], $0xD00  }
0x84: {  	[sflag:s16] =	ssyncset.done $0x0  }
0x85: {  	[sflag:s16] =	ssyncadd.s32 $0xFFFFF300  }
0x86: {  	_ =	swait.ge [sflag:s16], $0xD00  }
0x87: {  	[sflag:s16] =	ssyncset.done $0x0  }
0x88: {  	[sflag:s16] =	ssyncadd.s32 $0xFFFFF300  }
0x89: {  	_ =	swait.ge [sflag:s16], $0xD00  }
0x8a: {  	[sflag:s16] =	ssyncset.done $0x0  }
0x8b: {  	[sflag:s16] =	ssyncadd.s32 $0xFFFFF300  }
0x8c: {  	_ =	swait.ge [sflag:s16], $0xD00  }
0x8d: {  	s31 =	sadd.s32 s4, s26;
	[sflag:s16] =	ssyncset.done $0x0  }
0x8e: {  	s0 =	smul.u32 $0xD0, s31;
	[sflag:s16] =	ssyncadd.s32 $0xFFFFF300  }
0x8f: {  	s28 =	simm.s32 $0xA800;
	_ =	swait.ge [sflag:s16], $0xD00  }
0x90: {  	s29 =	simm.s32 $0x8;
	s26 =	sadd.s32 s2, s0;
	[sflag:s16] =	ssyncset.done $0x0  }
0x91: {  	s30 =	simm.s32 $0xA880;
	s0 =	sadd.s32 $0x0, s26;
	[sflag:s16] =	ssyncadd.s32 $0xFFFFF300  }
.LBB2_5:
0x92: {  	[hbm4b:s0+s3] =	stream.linear.scatter [tilespmem:s28], [sflag:$0x6], $0x40, $0x38;
	[tilespmem:$0x1E000] =	vst v63  }
0x93: {  	s0 =	smov.u32 s29;
	s28 =	smov.u32 s30;
	p0 =	sne.s32 s29, $0x678  }
.Ltmp1:
0x94: {  	s29 =	sadd.s32 $0x8, s29;
	(pc) =	sbr.rel @p0 .LBB2_5-.Ltmp1, $2  }
0x95: {  	_ =	sdelay $0x2  }
0x96: {  	s30 =	sadd.s32 $0x80, s30;
	s0 =	sadd.s32 s0, s26  }
0x97: {  	[hbm4b:s0+s3] =	stream.linear.scatter [tilespmem:s28], [sflag:$0x6], $0x40, $0x38;
	[tilespmem:$0x1E000] =	vst v63  }
0x98: {  	_ =	swait.ge [sflag:s17], $0xD00  }
0x99: {  	[sflag:s17] =	ssyncset.done $0x0  }
0x9a: {  	[sflag:s17] =	ssyncadd.s32 $0xFFFFF300  }
0x9b: {  	_ =	swait.ge [sflag:s17], $0xD00  }
0x9c: {  	[sflag:s17] =	ssyncset.done $0x0  }
0x9d: {  	[sflag:s17] =	ssyncadd.s32 $0xFFFFF300  }
0x9e: {  	_ =	swait.ge [sflag:s17], $0xD00  }
0x9f: {  	[sflag:s17] =	ssyncset.done $0x0  }
0xa0: {  	[sflag:s17] =	ssyncadd.s32 $0xFFFFF300  }
0xa1: {  	_ =	swait.ge [sflag:s17], $0xD00  }
0xa2: {  	[sflag:s17] =	ssyncset.done $0x0  }
0xa3: {  	[sflag:s17] =	ssyncadd.s32 $0xFFFFF300  }
0xa4: {  	_ =	swait.ge [sflag:s17], $0xD00  }
0xa5: {  	[sflag:s17] =	ssyncset.done $0x0  }
0xa6: {  	[sflag:s17] =	ssyncadd.s32 $0xFFFFF300  }
0xa7: {  	_ =	swait.ge [sflag:s17], $0xD00  }
0xa8: {  	[sflag:s17] =	ssyncset.done $0x0  }
0xa9: {  	[sflag:s17] =	ssyncadd.s32 $0xFFFFF300  }
0xaa: {  	_ =	swait.ge [sflag:s17], $0xD00  }
0xab: {  	s31 =	sadd.s32 s4, s25;
	[sflag:s17] =	ssyncset.done $0x0  }
0xac: {  	s0 =	smul.u32 $0xD0, s31;
	[sflag:s17] =	ssyncadd.s32 $0xFFFFF300  }
0xad: {  	s26 =	simm.s32 $0x11000;
	_ =	swait.ge [sflag:s17], $0xD00  }
0xae: {  	s28 =	simm.s32 $0x8;
	s25 =	sadd.s32 s2, s0;
	[sflag:s17] =	ssyncset.done $0x0  }
0xaf: {  	s29 =	simm.s32 $0x11080;
	s0 =	sadd.s32 $0x0, s25;
	[sflag:s17] =	ssyncadd.s32 $0xFFFFF300  }
.LBB2_7:
0xb0: {  	[hbm4b:s0+s3] =	stream.linear.scatter [tilespmem:s26], [sflag:$0x7], $0x40, $0x38;
	[tilespmem:$0x1E000] =	vst v63  }
0xb1: {  	s0 =	smov.u32 s28;
	s26 =	smov.u32 s29;
	p0 =	sne.s32 s28, $0x678  }
.Ltmp2:
0xb2: {  	s28 =	sadd.s32 $0x8, s28;
	(pc) =	sbr.rel @p0 .LBB2_7-.Ltmp2, $2  }
0xb3: {  	_ =	sdelay $0x2  }
0xb4: {  	s29 =	sadd.s32 $0x80, s29;
	s0 =	sadd.s32 s0, s25  }
0xb5: {  	[hbm4b:s0+s3] =	stream.linear.scatter [tilespmem:s26], [sflag:$0x7], $0x40, $0x38;
	[tilespmem:$0x1E000] =	vst v63  }
0xb6: {  	_ =	swait.ge [sflag:s18], $0xD00  }
0xb7: {  	[sflag:s18] =	ssyncset.done $0x0  }
0xb8: {  	[sflag:s18] =	ssyncadd.s32 $0xFFFFF300  }
0xb9: {  	_ =	swait.ge [sflag:s18], $0xD00  }
0xba: {  	[sflag:s18] =	ssyncset.done $0x0  }
0xbb: {  	[sflag:s18] =	ssyncadd.s32 $0xFFFFF300  }
0xbc: {  	_ =	swait.ge [sflag:s18], $0xD00  }
0xbd: {  	[sflag:s18] =	ssyncset.done $0x0  }
0xbe: {  	[sflag:s18] =	ssyncadd.s32 $0xFFFFF300  }
0xbf: {  	_ =	swait.ge [sflag:s18], $0xD00  }
0xc0: {  	[sflag:s18] =	ssyncset.done $0x0  }
0xc1: {  	[sflag:s18] =	ssyncadd.s32 $0xFFFFF300  }
0xc2: {  	_ =	swait.ge [sflag:s18], $0xD00  }
0xc3: {  	[sflag:s18] =	ssyncset.done $0x0  }
0xc4: {  	[sflag:s18] =	ssyncadd.s32 $0xFFFFF300  }
0xc5: {  	_ =	swait.ge [sflag:s18], $0xD00  }
0xc6: {  	[sflag:s18] =	ssyncset.done $0x0  }
0xc7: {  	[sflag:s18] =	ssyncadd.s32 $0xFFFFF300  }
0xc8: {  	_ =	swait.ge [sflag:s18], $0xD00  }
0xc9: {  	s31 =	sadd.s32 s4, s24;
	[sflag:s18] =	ssyncset.done $0x0  }
0xca: {  	s0 =	smul.u32 $0xD0, s31;
	[sflag:s18] =	ssyncadd.s32 $0xFFFFF300  }
0xcb: {  	s25 =	simm.s32 $0x17800;
	_ =	swait.ge [sflag:s18], $0xD00  }
0xcc: {  	s26 =	simm.s32 $0x8;
	s24 =	sadd.s32 s2, s0;
	[sflag:s18] =	ssyncset.done $0x0  }
0xcd: {  	s28 =	simm.s32 $0x17880;
	s0 =	sadd.s32 $0x0, s24;
	[sflag:s18] =	ssyncadd.s32 $0xFFFFF300  }
.LBB2_9:
0xce: {  	[hbm4b:s0+s3] =	stream.linear.scatter [tilespmem:s25], [sflag:$0x8], $0x40, $0x38;
	[tilespmem:$0x1E000] =	vst v63  }
0xcf: {  	s0 =	smov.u32 s26;
	s25 =	smov.u32 s28;
	p0 =	sne.s32 s26, $0x678  }
.Ltmp3:
0xd0: {  	s26 =	sadd.s32 $0x8, s26;
	(pc) =	sbr.rel @p0 .LBB2_9-.Ltmp3, $2  }
0xd1: {  	_ =	sdelay $0x2  }
0xd2: {  	s28 =	sadd.s32 $0x80, s28;
	s0 =	sadd.s32 s0, s24  }
0xd3: {  	[hbm4b:s0+s3] =	stream.linear.scatter [tilespmem:s25], [sflag:$0x8], $0x40, $0x38;
	[tilespmem:$0x1E000] =	vst v63  }
0xd4: {  	_ =	swait.ge [sflag:s19], $0x3400  }
0xd5: {  	[sflag:s19] =	ssyncset.done $0x0  }
0xd6: {  	[sflag:s19] =	ssyncadd.s32 $0xFFFFCC00  }
0xd7: {  	_ =	swait.ge [sflag:s20], $0x3400  }
0xd8: {  	[sflag:s20] =	ssyncset.done $0x0  }
0xd9: {  	s23 =	sadd.s32 $0x1, s23;
	[sflag:s20] =	ssyncadd.s32 $0xFFFFCC00  }
0xda: {  	p0 =	sne.s32 s23, $0x10;
	_ =	swait.ge [sflag:s21], $0x3400  }
.Ltmp4:
0xdb: {  	[sflag:s21] =	ssyncset.done $0x0;
	(pc) =	sbr.rel @p0 .LBB2_2-.Ltmp4, $4  }
0xdc: {  	[sflag:s21] =	ssyncadd.s32 $0xFFFFCC00  }
0xdd: {  	_ =	swait.ge [sflag:s22], $0x3400  }
0xde: {  	[sflag:s22] =	ssyncset.done $0x0  }
0xdf: {  	[sflag:s22] =	ssyncadd.s32 $0xFFFFCC00  }
0xe0: {  	s23 =	rddreg [dreg:$0x5]  }
0xe1: {  	s0 =	rddreg [dreg:$0x4];
	s23 =	sadd.s32 $0x1, s23  }
0xe2: {  	p0 =	sne.s32 s23, s0  }
.Ltmp5:
0xe3: {  	_ = 	snop;
	(pc) =	sbr.rel @p0 .LBB2_1-.Ltmp5, $1  }
0xe4: {  	_ =	sdelay $0x3  }
0xe5: {  	_ =	sfence.sel $0x180000  }
0xe6: {  	[bflag:$0x0] =	sbarrier.arrive $0xFFFF  }
0xe7: {  	_ =	strace $0x90000047  }
0xe8: {  	s0 =	stileid.u32;
	[bflag:$0x2] =	sbarrier.arrive $0xFFFF  }
0xe9: {  	p0 =	sne.s32 s0, $0x0;
	s0 =	rddreg [dreg:$0x2]  }
0xea: {  	s0 =	sadd.s32 @!p0 $0x100000, s0  }
0xeb: {  	[sflag:s0] =	ssyncadd.tile.s32 @!p0 $0x1;
	_ =	shalt  }
.Lfunc_end2:
_tile_overlayer_lowered:
.L_overlay_start_2:
0xec: {  	(tag) =	ssettag $0x2  }
0xed: {  	s0 =	rddreg [dreg:$0x0];
	s2 =	stileid.u32  }
0xee: {  	s1 =	rddreg [dreg:$0x1];
	p0 =	sne.s32 s2, $0x0  }
0xef: {  	s3 =	rddreg [dreg:$0x2];
	[bflag:$0x3] =	sbarrier.arrive $0xFFFF;
	s2 =	simm.s32 @!p0 $0x1C09  }
0xf0: {  	[timem:s3], [sflag:s2] =	dma.local @!p0 [hbm:s0], s1  }
0xf1: {  	s0 =	simm.s32 @!p0 $0x9  }
0xf2: {  	_ =	swait.ge @!p0 [sflag:s0], s1  }
0xf3: {  	s1 =	ssub.s32 @!p0 $0x0, s1;
	[sflag:s0] =	ssyncset.done @!p0 $0x0  }
0xf4: {  	[sflag:s0] =	ssyncadd.s32 @!p0 s1  }
0xf5: {  	[bflag:$0x3] =	sbarrier.arrive $0xFFFF  }
0xf6: {  	_ =	shalt  }

// kernel: sparse-core-data-format-call.cloned.1.call-start
scs
called_computation_lowered:
.L_overlay_start_0:
0x0: {  	s2 =	sld [smem:$0x3FD9]  }
0x1: {  	s3 =	sld [smem:$0x3FFE];
	_ =	sdelay $0x1  }
0x2: {  	s1 =	srdreg.scid  }
0x3: {  	s0 =	sand.u32 $0x1, s1  }
0x4: {  	s18 =	sshll.u32 s0, $0xA;
	s2 =	sadd.s32 s3, s2  }
0x5: {  	s2 =	sadd.s32 s2, s18  }
0x6: {  	[smem:$0x3FC6] =	sst s2  }
0x7: {  	_ = 	snop  }
0x8: {  	s2 =	sld [smem:$0x3FD0];
	(tm) =	ssettm $0x1  }
0x9: {  	s19 =	sld [smem:$0x3FFB];
	_ =	sdelay $0x3  }
0xa: {  	_ =	strace s19  }
0xb: {  	s3 =	sld [smem:$0x3FFC];
	_ =	sdelay $0x3  }
0xc: {  	_ =	strace s3  }
0xd: {  	s3 =	sld [smem:$0x3FFD];
	_ =	sdelay $0x3  }
0xe: {  	_ =	strace s3  }
0xf: {  	_ =	strace $0x8FFFFFFF  }
0x10: {  	s20 =	sld [smem:$0x3FDB];
	_ =	sdelay $0x1  }
0x11: {  	s4 =	simm.s32 $_scs_section_size  }
0x12: {  	s5 =	simm.s32 $_size__tile_overlayer_lowered;
	s6 =	simm.s32 $_tile_overlayer_lowered  }
0x13: {  	s23 =	simm.s32 $0x1BFF;
	s22 =	sshll.u32 s6, $0x1;
	s3 =	sadd.s32 s4, s20  }
0x14: {  	s7 =	simm.s32 $0x0;
	s21 =	sshll.u32 s5, $0x1;
	s5 =	sadd.s32 s22, s3  }
0x15: {  	[timem:s7], [sflag:s23] =	dma.local [hbm:s5], s21  }
0x16: {  	_ =	swait.ge [sflag:s23], s21  }
0x17: {  	s4 =	ssub.s32 $0x0, s21;
	[sflag:s23] =	ssyncset.done $0x0  }
0x18: {  	[sflag:s23] =	ssyncadd.s32 s4;
	_ =	sdelay $0x1  }
0x19: {  	s24 =	simm.s32 $0x1B8B  }
0x1a: {  	_ =	swait.ge [sflag:s24], $0x1  }
0x1b: {  	[sflag:s24] =	ssyncset.done $0x0  }
0x1c: {  	s26 =	simm.s32 $0x1B8E;
	s25 =	sld [smem:$0x3FFE];
	[sflag:s24] =	ssyncadd.s32 $0xFFFFFFFF  }
0x1d: {  	s27 =	simm.s32 $execute0_lowered;
	[smem:$0x3FD2] =	sst s26  }
0x1e: {  	s5 =	sshll.u32 s27, $0x1;
	_ =	strace $0x80000049;
	[dreg:$0x1] =	wrdreg $0xFFFFFFFF  }
0x1f: {  	s28 =	simm.s32 $_size_execute0_lowered;
	s3 =	sadd.s32 s3, s5;
	[dreg:$0x0] =	wrdreg $0x0  }
0x20: {  	s5 =	sshll.u32 s28, $0x1;
	[dreg:$0x2] =	wrdreg s3  }
0x21: {  	[dreg:$0x3] =	wrdreg s5  }
0x22: {  	[dreg:$0x4] =	wrdreg $0xC0  }
0x23: {  	_ =	task [dreg:s7], $0x5FFFF  }
0x24: {  	[dreg:$0x1] =	wrdreg $0xFFFFFFFF  }
0x25: {  	[dreg:$0x0] =	wrdreg $0x60  }
0x26: {  	[dreg:$0x2] =	wrdreg s25  }
0x27: {  	[dreg:$0x3] =	wrdreg s2  }
0x28: {  	[dreg:$0x4] =	wrdreg $0x9  }
0x29: {  	_ =	task.clear_ibuf [dreg:s7], $0x5FFFF;
	_ =	strace $0x90000049  }
0x2a: {  	s29 =	simm.s32 $0x9;
	_ =	strace $0x8000004B  }
0x2b: {  	_ =	swait.ge [sflag:s29], $0x1  }
0x2c: {  	[sflag:s29] =	ssyncadd.s32 $0xFFFFFFFF  }
0x2d: {  	_ =	strace $0x9000004B  }
0x2e: {  	_ =	sfence  }
0x2f: {  	s30 =	sld [smem:$0x0];
	_ =	sdelay $0x2  }
0x30: {  	s31 =	sshll.u32 s1, $0xD;
	s1 =	sshrl.u32 s1, $0x2  }
0x31: {  	s3 =	sand.u32 $0x4000, s31;
	s1 =	sadd.s32 s1, s30  }
0x32: {  	s0 =	sor.u32 s3, s0;
	s1 =	sshll.u32 s1, $0x11  }
0x33: {  	s0 =	sor.u32 s1, s0  }
0x34: {  	s0 =	sadd.s32 $0x8F2B, s0  }
0x35: {  	[sflag:s0] =	ssyncadd.remote.s32 $0x1  }
0x36: {  	_ =	sfence.sel $0xFFFF  }
0x37: {  	[dreg:$0x0] =	wrdreg $0xFFFFFFFF;
	(pc) =	sbr.abs _section_cstart, $3  }
0x38: {  	[dreg:$0x1] =	wrdreg $0xFFFFFFFF  }
0x39: {  	_ =	task.clear_ibuf [dreg:s7], $0x2FFFF;
	_ =	strace $0x9FFFFFFF  }
0x3a: {  	(tm) =	ssettm $0x7FFFFFFF  }
0x3b: {  	_ =	shalt  }
tec
execute0_lowered:
.L_overlay_start_1:
0x0: {  	(tag) =	ssettag $0x1  }
0x1: {  	s0 =	srdreg.scid  }
0x2: {  	s1 =	sshll.u32 s0, $0x4  }
0x3: {  	s0 =	stileid.u32;
	s1 =	sand.u32 $0x10, s1  }
0x4: {  	s1 =	sor.u32 s0, s1  }
0x5: {  	s6 =	rddreg [dreg:$0x0];
	s4 =	simm.s32 $0x1;
	s2 =	sshll.u32 s1, $0x7  }
0x6: {  	s7 =	simm.s32 $0x2;
	s12 =	simm.s32 $0x0;
	s1 =	ssub.s32 $0x4000, s2  }
0x7: {  	s8 =	simm.s32 $0x20000;
	s13 =	simm.s32 $0x0;
	s3 =	sand.u32 $0xF80, s1  }
0x8: {  	s9 =	simm.s32 $0x0;
	s5 =	sshrl.u32 s1, $0xC;
	p0 =	sne.s32 s3, $0x0  }
.Ltmp0:
0x9: {  	s1 =	rddreg [dreg:$0x2];
	s4 =	simm.s32 @!p0 $0x0;
	(pc) =	sbr.rel .LBB1_1-.Ltmp0, $4  }
0xa: {  	s11 =	simm.s32 $0x0;
	s3 =	rddreg [dreg:$0x1];
	s5 =	sadd.s32 s4, s5  }
0xb: {  	_ =	strace $0x8000004A;
	s4 =	simm.s32 $0x1;
	s5 =	smul.u32 $0x1A, s5  }
0xc: {  	s6 =	sadd.s32 $0x800, s6;
	s10 =	smov.u32 s2;
	[sflag:s4] =	ssyncpa.u1 $0x0  }
0xd: {  	p0 =	por $0x0, $0x0;
	[sflag:s7] =	ssyncpa.u1 $0x0;
	s7 =	sor.u32 $0x1, s5  }
.LBB1_4:
0xe: {  	s16 =	sshll.u32 s13, $0x3;
	s17 =	sand.u32 $0x78, s13  }
0xf: {  	s30 =	sand.u32 $0x1F800, s13;
	s12 =	sshll.u32 s12, $0x11;
	s16 =	sand.u32 $0x3C00, s16  }
0x10: {  	[tilespmem:s15+$0x810 ss:$0x81] =	vst.msk $0xffff, v2;
	s31 =	sand.u32 $0x7, s13;
	s16 =	sor.u32 s17, s16;
	s17 =	sadd.s32 s3, s30  }
0x11: {  	[tilespmem:s15+$0x1020 ss:$0x81] =	vst.msk $0xffff, v0;
	s13 =	sshll.u32 s31, $0x12;
	s12 =	sadd.s32 s12, s17;
	s16 =	sshrl.u32 s16, $0x3  }
0x12: {  	[tilespmem:s15+$0x0 ss:$0x81] =	vst.msk $0xffff, v1;
	s13 =	sor.u32 $0x400, s13;
	s12 =	sadd.s32 s16, s12  }
0x13: {  	[hbm4b:s12+s13] =	stream.strided.scatter [tilespmem:s14], [sflag:$0x2], $0x2000, s8, s13, $0x20;
	[tilespmem:$0x8080] =	vst v63  }
.LBB1_5:
0x14: {  	s14 =	sadd.s32 $0x1, s9  }
0x15: {  	s12 =	sadd.s32 $0x1000, s10;
	s16 =	smov.u32 s10;
	p2 =	sgt.s32 s14, $0x19  }
0x16: {  	s16 =	smov.u32 @p2 s12  }
0x17: {  	s14 =	simm.s32 @p2 $0x0;
	p2 =	sgt.s32 s16, $0x3FFF  }
0x18: {  	s16 =	smov.u32 @p2 s2;
	p2 =	sne.s32 s11, s7  }
.Ltmp1:
0x19: {  	p1 =	slt.u32 s11, $0x2;
	(pc) =	sbr.rel @!p2 .LBB1_6-.Ltmp1, $4  }
0x1a: {  	s15 =	simm.s32 @!p1 $0x2  }
0x1b: {  	s13 =	smov.u32 s10;
	p0 =	por !p0, !p0;
	_ =	swait.ge @!p1 [sflag:s15], $0x2000  }
0x1c: {  	s12 =	smov.u32 s9;
	[sflag:s15] =	ssyncset.done @!p1 $0x0;
	s9 =	smov.u32 s14  }
0x1d: {  	s11 =	sadd.s32 $0x1, s11;
	[sflag:s15] =	ssyncadd.s32 @!p1 $0xFFFFE000;
	s10 =	smov.u32 s16  }
.LBB1_1:
0x1e: {  	p1 =	sge.u32 s11, s5  }
0x1f: {  	s31 =	sadd.s32 $0xFFFFFFFF, s11;
	s14 =	sxor.u32 @!p1 $0xFFFFFFFF, s11  }
0x20: {  	s15 =	sshll.u32 @!p1 s10, $0x9;
	s16 =	sshll.u32 @!p1 s9, $0x4;
	s17 =	simm.s32 @!p1 $0x1000  }
0x21: {  	s14 =	sshll.u32 @!p1 s14, $0xD;
	s16 =	sand.u32 @!p1 $0x1F0, s16;
	s15 =	sadd.s32 @!p1 s6, s15  }
0x22: {  	s14 =	sand.u32 @!p1 $0x2000, s14;
	s15 =	sadd.s32 @!p1 s16, s15;
	s16 =	simm.s32 @!p1 $0x40  }
0x23: {  	[tilespmem:s14], [sflag:$0x1] =	stream.strided.gather @!p1 [hbm4b:s15+s16], $0x2000, s17, s16, $0x38;
	[tilespmem:$0x8080] =	vst v63  }
0x24: {  	p1 =	sge.u32 s31, s5  }
.Ltmp2:
0x25: {  	_ = 	snop;
	(pc) =	sbr.rel @p1 .LBB1_5-.Ltmp2, $1  }
0x26: {  	_ =	sdelay $0x3  }
0x27: {  	s14 =	simm.s32 $0x1  }
0x28: {  	_ =	swait.ge [sflag:s4], $0x2000;
	s14 =	simm.s32 @!p0 $0x0  }
0x29: {  	[sflag:s4] =	ssyncset.done $0x0;
	s15 =	sshll.u32 s14, $0xD  }
0x2a: {  	[sflag:s4] =	ssyncadd.s32 $0xFFFFE000;
	s18 =	sor.u32 $0x20, s15  }
0x2b: {  	s14 =	smul.u32 $0x8100, s14;
	v3 =	vld [tilespmem:s18+$0x10]  }
0x2c: {  	s30 =	sand.u32 $0x1, s11;
	v2 =	vld [tilespmem:s18+$0xFFFFFFF0]  }
0x2d: {  	s15 =	smul.u32 $0x8100, s30;
	s14 =	sshrl.u32 s14, $0x2;
	v0 =	vld [tilespmem:s18+$0x0]  }
0x2e: {  	v1 =	vld [tilespmem:s18+$0xFFFFFFE0];
	s16 =	sor.u32 $0x4000, s14  }
0x2f: {  	s31 =	sshrl.u32 s15, $0x2;
	s15 =	sadd.s32 $0x0, s16  }
0x30: {  	s17 =	simm.s32 $0x4;
	s18 =	sadd.s32 $0x40, s18;
	s14 =	sor.u32 $0x4000, s31;
	[tilespmem:s15+$0x1830 ss:$0x81] =	vst.msk $0xffff, v3  }
.LBB1_3:
0x31: {  	v3 =	vld [tilespmem:s18+$0x10];
	p1 =	sne.s32 s17, $0x1FC;
	[tilespmem:s15+$0x810 ss:$0x81] =	vst.msk $0xffff, v2;
	s19 =	smov.u32 s17;
	s17 =	sadd.s32 $0x4, s17  }
.Ltmp3:
0x32: {  	v2 =	vld [tilespmem:s18+$0xFFFFFFF0];
	[tilespmem:s15+$0x1020 ss:$0x81] =	vst.msk $0xffff, v0;
	(pc) =	sbr.rel @p1 .LBB1_3-.Ltmp3, $4  }
0x33: {  	v0 =	vld [tilespmem:s18+$0x0];
	[tilespmem:s15+$0x0 ss:$0x81] =	vst.msk $0xffff, v1  }
0x34: {  	s15 =	sshra.s32 s19, $0x2;
	v1 =	vld [tilespmem:s18+$0xFFFFFFE0]  }
0x35: {  	s15 =	sadd.s32 s15, s16  }
0x36: {  	s18 =	sadd.s32 $0x40, s18;
	[tilespmem:s15+$0x1830 ss:$0x81] =	vst.msk $0xffff, v3  }
.Ltmp4:
0x37: {  	_ = 	snop;
	(pc) =	sbr.rel .LBB1_4-.Ltmp4, $1  }
0x38: {  	_ =	sdelay $0x3  }
.LBB1_6:
0x39: {  	_ =	sfence.sel $0x180000  }
0x3a: {  	s2 =	simm.s32 $0x1;
	[bflag:$0x0] =	sbarrier.arrive $0xFFFF  }
0x3b: {  	s31 =	simm.s32 $0x2;
	[sflag:s2] =	ssyncpa.u1 $0x1  }
0x3c: {  	[sflag:s31] =	ssyncpa.u1 $0x1  }
0x3d: {  	p0 =	sne.s32 s0, $0x0;
	_ =	strace $0x9000004A  }
0x3e: {  	s0 =	sadd.s32 @!p0 $0x100000, s1;
	[bflag:$0x2] =	sbarrier.arrive $0xFFFF  }
0x3f: {  	[sflag:s0] =	ssyncadd.tile.s32 @!p0 $0x1;
	_ =	shalt  }
.Lfunc_end1:
_tile_overlayer_lowered:
.L_overlay_start_2:
0x40: {  	(tag) =	ssettag $0x2  }
0x41: {  	s0 =	rddreg [dreg:$0x0];
	s2 =	stileid.u32  }
0x42: {  	s1 =	rddreg [dreg:$0x1];
	p0 =	sne.s32 s2, $0x0  }
0x43: {  	s3 =	rddreg [dreg:$0x2];
	[bflag:$0x3] =	sbarrier.arrive $0xFFFF;
	s2 =	simm.s32 @!p0 $0x1C01  }
0x44: {  	[timem:s3], [sflag:s2] =	dma.local @!p0 [hbm:s0], s1  }
0x45: {  	s0 =	simm.s32 @!p0 $0x1  }
0x46: {  	_ =	swait.ge @!p0 [sflag:s0], s1  }
0x47: {  	s1 =	ssub.s32 @!p0 $0x0, s1;
	[sflag:s0] =	ssyncset.done @!p0 $0x0  }
0x48: {  	[sflag:s0] =	ssyncadd.s32 @!p0 s1  }
0x49: {  	[bflag:$0x3] =	sbarrier.arrive $0xFFFF  }
0x4a: {  	_ =	shalt  }

</sc_bundles>
